<compile_context>
chip_gen: v7x
topology: tpu7x:2x2x1
jax: 0.10.2.dev20260603
libtpu: 0.0.44.dev20260713+nightly
codegen_flags: <defaults>
</compile_context>

<pallas_src>
import functools

import jax
import jax.numpy as jnp
from jax import lax
from jax.experimental import pallas as pl
from jax.experimental.pallas import tpu as pltpu
from jax.experimental.pallas import tpu_sc as plsc

LANES = 16
CHUNK = 128


@functools.lru_cache(maxsize=None)
def _make_nll_kernel(n: int, c: int):
    info = plsc.get_sparse_core_info()
    nc, ns = info.num_cores, info.num_subcores
    nw = nc * ns
    per_w = n // nw
    n_chunks = per_w // CHUNK
    n_steps = per_w // LANES
    steps_per_chunk = CHUNK // LANES

    mesh = plsc.VectorSubcoreMesh(core_axis_name="c", subcore_axis_name="s")

    @functools.partial(
        pl.kernel,
        mesh=mesh,
        out_type=jax.ShapeDtypeStruct((nw, LANES), jnp.float32),
        compiler_params=pltpu.CompilerParams(needs_layout_passes=False),
        scratch_types=[
            pltpu.VMEM((per_w,), jnp.int32),
            pltpu.VMEM((c,), jnp.float32),
            pltpu.VMEM((per_w,), jnp.int32),
            pltpu.VMEM((per_w,), jnp.float32),
            pltpu.VMEM((per_w,), jnp.float32),
            pltpu.VMEM((LANES,), jnp.float32),
            pltpu.SemaphoreType.DMA((n_chunks,)),
        ],
    )
    def nll(pflat_hbm, tgt_hbm, w_hbm, out_hbm, t_v, w_v, idx_v, val_v, wsel_v, res_v, sem):
        cid = lax.axis_index("c")
        sid = lax.axis_index("s")
        wid = sid * nc + cid
        base = wid * per_w

        pltpu.sync_copy(tgt_hbm.at[pl.ds(base, per_w)], t_v)
        pltpu.sync_copy(w_hbm, w_v)

        lane_base = lax.iota(jnp.int32, LANES) * c + base * c

        def fire(ci, carry):
            off = ci * CHUNK
            for k in range(CHUNK // LANES):
                sl = pl.ds(off + k * LANES, LANES)
                t16 = t_v[sl]
                idx_v[sl] = t16 + (lane_base + (off + k * LANES) * c)
                wsel_v[sl] = plsc.load_gather(w_v, [t16])
            sl_c = pl.ds(off, CHUNK)
            pltpu.async_copy(pflat_hbm.at[idx_v.at[sl_c]], val_v.at[sl_c], sem.at[ci])
            return carry

        lax.fori_loop(0, n_chunks, fire, 0, unroll=4)

        def accum(ci, acc):
            off = ci * CHUNK
            sl_c = pl.ds(off, CHUNK)
            pltpu.make_async_copy(pflat_hbm.at[pl.ds(0, CHUNK)], val_v.at[sl_c], sem.at[ci]).wait()
            for k in range(CHUNK // LANES):
                sl = pl.ds(off + k * LANES, LANES)
                acc = acc + val_v[sl] * wsel_v[sl]
            return acc

        acc = lax.fori_loop(
            0, n_chunks, accum, jnp.zeros((LANES,), jnp.float32), unroll=2
        )

        res_v[...] = jnp.full((LANES,), jnp.sum(acc), jnp.float32)
        pltpu.sync_copy(res_v, out_hbm.at[wid])

    return nll


def kernel(prob, target, weight):
    n, c = prob.shape
    pflat = prob.reshape(n * c)
    tgt = target.astype(jnp.int32)
    partials = _make_nll_kernel(n, c)(pflat, tgt, weight.astype(jnp.float32))
    return -jnp.sum(partials[:, 0])

# --- scband reference (transcript-rebuilt; emitter-appended) ---
"""Pipeline reference for scband-nllloss-62070867362244 (READ-ONLY COPY).

The authoritative reference and input builder live on the scoring server;
editing this copy changes nothing except your own understanding.
"""

import jax, jax.numpy as jnp
import numpy as np

N = 65536
C = 128

def setup_inputs(seed: int = 0) -> dict:
    key = jax.random.key(seed)
    k1, k2 = jax.random.split(key)
    prob = jax.random.normal(k1, (N, C), dtype=jnp.float32)
    target = jax.random.randint(k2, (N,), 0, C, dtype=jnp.int64)
    weight = jnp.ones((C,), dtype=jnp.float32)
    return {"prob": prob, "target": target, "weight": weight}

def reference(prob, target, weight):
    # weight: (C,) -> broadcast to (N, C)
    w = weight.reshape(1, -1)
    p = w * prob
    # one_hot scatter + masked_select is equivalent to gathering p[i, target[i]]
    sel = jnp.take_along_axis(p, target.reshape(-1, 1).astype(jnp.int32), axis=1)
    return -jnp.sum(sel)

if __name__ == "__main__":
    import jax
    _d = setup_inputs()
    print(jax.jit(kernel)(*tuple(_d.values())))

</pallas_src>

<mosaic_0001>
#map = affine_map<(d0, d1) -> (0)>
#map1 = affine_map<(d0, d1) -> (0, 0)>
module attributes {stable_mosaic.version = 14 : i64} {
  func.func @nll(%arg0: i32, %arg1: i32, %arg2: memref<8388608xf32, #tpu.memory_space<hbm>>, %arg3: memref<65536xi32, #tpu.memory_space<hbm>>, %arg4: memref<128xf32, #tpu.memory_space<hbm>>, %arg5: memref<32x16xf32, #tpu.memory_space<hbm>>, %arg6: memref<2048xi32, #tpu.memory_space<vmem>>, %arg7: memref<128xf32, #tpu.memory_space<vmem>>, %arg8: memref<2048xi32, #tpu.memory_space<vmem>>, %arg9: memref<2048xf32, #tpu.memory_space<vmem>>, %arg10: memref<2048xf32, #tpu.memory_space<vmem>>, %arg11: memref<16xf32, #tpu.memory_space<vmem>>, %arg12: memref<16x!tpu.dma_semaphore, #tpu.memory_space<semaphore_mem>>) attributes {dimension_semantics = [#tpu.dimension_semantics<core_parallel>, #tpu.dimension_semantics<subcore_parallel>], iteration_bounds = array<i64: 2, 16>, scalar_prefetch = 0 : i64, scratch_operands = 7 : i64, tpu.core_type = #tpu.core_type<sc_vector_subcore>, window_params = [{transform_indices = #map}, {transform_indices = #map}, {transform_indices = #map}, {transform_indices = #map1}]} {
    %mul3A = arith.constant 2 : i32
    %mul3A_0 = arith.muli %arg1, %mul3A : i32
    %add3A = arith.addi %mul3A_0, %arg0 : i32
    %mul3A_1 = arith.constant 2048 : i32
    %mul3A_2 = arith.muli %add3A, %mul3A_1 : i32
    "tpu.region"() ({
      %run_scoped3A = tpu.sem_alloc : memref<!tpu.dma_semaphore, #tpu.memory_space<semaphore_mem>>
      %dma_start3A = tpu.memref_slice %arg3[%mul3A_2] : memref<65536xi32, #tpu.memory_space<hbm>> -> memref<2048xi32, #tpu.memory_space<hbm>>
      %dma_start3A_27 = tpu.memref_slice %arg3[%mul3A_2] : memref<65536xi32, #tpu.memory_space<hbm>> -> memref<2048xi32, #tpu.memory_space<hbm>>
      tpu.enqueue_dma source(%dma_start3A_27 : memref<2048xi32, #tpu.memory_space<hbm>>) target(%arg6 : memref<2048xi32, #tpu.memory_space<vmem>>) target_semaphore(%run_scoped3A : memref<!tpu.dma_semaphore, #tpu.memory_space<semaphore_mem>>)
      %dma_wait3A = tpu.memref_slice %arg3[%mul3A_2] : memref<65536xi32, #tpu.memory_space<hbm>> -> memref<2048xi32, #tpu.memory_space<hbm>>
      %dma_wait3A_28 = tpu.memref_slice %arg3[%mul3A_2] : memref<65536xi32, #tpu.memory_space<hbm>> -> memref<2048xi32, #tpu.memory_space<hbm>>
      tpu.wait_dma2 semaphore(%run_scoped3A : memref<!tpu.dma_semaphore, #tpu.memory_space<semaphore_mem>>) src(%dma_wait3A_28 : memref<2048xi32, #tpu.memory_space<hbm>>) dst(%arg6 : memref<2048xi32, #tpu.memory_space<vmem>>)
      tpu.yield
    }) : () -> ()
    "tpu.region"() ({
      %run_scoped3A = tpu.sem_alloc : memref<!tpu.dma_semaphore, #tpu.memory_space<semaphore_mem>>
      tpu.enqueue_dma source(%arg4 : memref<128xf32, #tpu.memory_space<hbm>>) target(%arg7 : memref<128xf32, #tpu.memory_space<vmem>>) target_semaphore(%run_scoped3A : memref<!tpu.dma_semaphore, #tpu.memory_space<semaphore_mem>>)
      tpu.wait_dma2 semaphore(%run_scoped3A : memref<!tpu.dma_semaphore, #tpu.memory_space<semaphore_mem>>) src(%arg4 : memref<128xf32, #tpu.memory_space<hbm>>) dst(%arg7 : memref<128xf32, #tpu.memory_space<vmem>>)
      tpu.yield
    }) : () -> ()
    %iota3A = tpu.iota {dimensions = array<i32: 0>} : vector<16xi32>
    %mul3A_3 = arith.constant 128 : i32
    %mul3A_4 = vector.broadcast %mul3A_3 : i32 to vector<16xi32>
    %mul3A_5 = arith.muli %iota3A, %mul3A_4 : vector<16xi32>
    %mul3A_6 = arith.constant 128 : i32
    %mul3A_7 = arith.muli %mul3A_2, %mul3A_6 : i32
    %add3A_8 = vector.broadcast %mul3A_7 : i32 to vector<16xi32>
    %add3A_9 = arith.addi %mul3A_5, %add3A_8 : vector<16xi32>
    %scan3A = arith.constant 0 : i32
    %scan3A_10 = arith.constant 0 : i32
    %scan3A_11 = arith.constant 16 : i32
    %scan3A_12 = arith.addi %scan3A_10, %scan3A_11 : i32
    %scan3A_13 = arith.constant 4 : i32
    scf.for %scan3A_27 = %scan3A_10 to %scan3A_12 step %scan3A_13  : i32 {
      %mul3A_28 = arith.constant 128 : i32
      %mul3A_29 = arith.muli %scan3A_27, %mul3A_28 : i32
      %add3A_30 = arith.constant 0 : i32
      %add3A_31 = arith.addi %mul3A_29, %add3A_30 : i32
      %get3A = arith.index_cast %add3A_31 : i32 to index
      %get3A_32 = tpu.vector_load %arg6[%get3A] {strides = array<i32>} : memref<2048xi32, #tpu.memory_space<vmem>>, vector<16xi32>,
      %add3A_33 = arith.constant 0 : i32
      %add3A_34 = arith.addi %mul3A_29, %add3A_33 : i32
      %mul3A_35 = arith.constant 128 : i32
      %mul3A_36 = arith.muli %add3A_34, %mul3A_35 : i32
      %add3A_37 = vector.broadcast %mul3A_36 : i32 to vector<16xi32>
      %add3A_38 = arith.addi %add3A_9, %add3A_37 : vector<16xi32>
      %add3A_39 = arith.addi %get3A_32, %add3A_38 : vector<16xi32>
      %swap3A_40 = arith.index_cast %add3A_31 : i32 to index
      %swap3A_41 = tpu.vector_load %arg8[%swap3A_40] {strides = array<i32>} : memref<2048xi32, #tpu.memory_space<vmem>>, vector<16xi32>,
      tpu.vector_store %arg8[%swap3A_40], %add3A_39 {strides = array<i32>} : memref<2048xi32, #tpu.memory_space<vmem>>, vector<16xi32>,
      %gather3A = tpu.vector_load_idx %arg7[%get3A_32] : memref<128xf32, #tpu.memory_space<vmem>>[vector<16xi32>], vector<16xf32>,
      %swap3A_42 = arith.index_cast %add3A_31 : i32 to index
      %swap3A_43 = tpu.vector_load %arg10[%swap3A_42] {strides = array<i32>} : memref<2048xf32, #tpu.memory_space<vmem>>, vector<16xf32>,
      tpu.vector_store %arg10[%swap3A_42], %gather3A {strides = array<i32>} : memref<2048xf32, #tpu.memory_space<vmem>>, vector<16xf32>,
      %add3A_44 = arith.constant 16 : i32
      %add3A_45 = arith.addi %mul3A_29, %add3A_44 : i32
      %get3A_46 = arith.index_cast %add3A_45 : i32 to index
      %get3A_47 = tpu.vector_load %arg6[%get3A_46] {strides = array<i32>} : memref<2048xi32, #tpu.memory_space<vmem>>, vector<16xi32>,
      %add3A_48 = arith.constant 16 : i32
      %add3A_49 = arith.addi %mul3A_29, %add3A_48 : i32
      %mul3A_50 = arith.constant 128 : i32
      %mul3A_51 = arith.muli %add3A_49, %mul3A_50 : i32
      %add3A_52 = vector.broadcast %mul3A_51 : i32 to vector<16xi32>
      %add3A_53 = arith.addi %add3A_9, %add3A_52 : vector<16xi32>
      %add3A_54 = arith.addi %get3A_47, %add3A_53 : vector<16xi32>
      %swap3A_55 = arith.index_cast %add3A_45 : i32 to index
      %swap3A_56 = tpu.vector_load %arg8[%swap3A_55] {strides = array<i32>} : memref<2048xi32, #tpu.memory_space<vmem>>, vector<16xi32>,
      tpu.vector_store %arg8[%swap3A_55], %add3A_54 {strides = array<i32>} : memref<2048xi32, #tpu.memory_space<vmem>>, vector<16xi32>,
      %gather3A_57 = tpu.vector_load_idx %arg7[%get3A_47] : memref<128xf32, #tpu.memory_space<vmem>>[vector<16xi32>], vector<16xf32>,
      %swap3A_58 = arith.index_cast %add3A_45 : i32 to index
      %swap3A_59 = tpu.vector_load %arg10[%swap3A_58] {strides = array<i32>} : memref<2048xf32, #tpu.memory_space<vmem>>, vector<16xf32>,
      tpu.vector_store %arg10[%swap3A_58], %gather3A_57 {strides = array<i32>} : memref<2048xf32, #tpu.memory_space<vmem>>, vector<16xf32>,
      %add3A_60 = arith.constant 32 : i32
      %add3A_61 = arith.addi %mul3A_29, %add3A_60 : i32
      %get3A_62 = arith.index_cast %add3A_61 : i32 to index
      %get3A_63 = tpu.vector_load %arg6[%get3A_62] {strides = array<i32>} : memref<2048xi32, #tpu.memory_space<vmem>>, vector<16xi32>,
      %add3A_64 = arith.constant 32 : i32
      %add3A_65 = arith.addi %mul3A_29, %add3A_64 : i32
      %mul3A_66 = arith.constant 128 : i32
      %mul3A_67 = arith.muli %add3A_65, %mul3A_66 : i32
      %add3A_68 = vector.broadcast %mul3A_67 : i32 to vector<16xi32>
      %add3A_69 = arith.addi %add3A_9, %add3A_68 : vector<16xi32>
      %add3A_70 = arith.addi %get3A_63, %add3A_69 : vector<16xi32>
      %swap3A_71 = arith.index_cast %add3A_61 : i32 to index
      %swap3A_72 = tpu.vector_load %arg8[%swap3A_71] {strides = array<i32>} : memref<2048xi32, #tpu.memory_space<vmem>>, vector<16xi32>,
      tpu.vector_store %arg8[%swap3A_71], %add3A_70 {strides = array<i32>} : memref<2048xi32, #tpu.memory_space<vmem>>, vector<16xi32>,
      %gather3A_73 = tpu.vector_load_idx %arg7[%get3A_63] : memref<128xf32, #tpu.memory_space<vmem>>[vector<16xi32>], vector<16xf32>,
      %swap3A_74 = arith.index_cast %add3A_61 : i32 to index
      %swap3A_75 = tpu.vector_load %arg10[%swap3A_74] {strides = array<i32>} : memref<2048xf32, #tpu.memory_space<vmem>>, vector<16xf32>,
      tpu.vector_store %arg10[%swap3A_74], %gather3A_73 {strides = array<i32>} : memref<2048xf32, #tpu.memory_space<vmem>>, vector<16xf32>,
      %add3A_76 = arith.constant 48 : i32
      %add3A_77 = arith.addi %mul3A_29, %add3A_76 : i32
      %get3A_78 = arith.index_cast %add3A_77 : i32 to index
      %get3A_79 = tpu.vector_load %arg6[%get3A_78] {strides = array<i32>} : memref<2048xi32, #tpu.memory_space<vmem>>, vector<16xi32>,
      %add3A_80 = arith.constant 48 : i32
      %add3A_81 = arith.addi %mul3A_29, %add3A_80 : i32
      %mul3A_82 = arith.constant 128 : i32
      %mul3A_83 = arith.muli %add3A_81, %mul3A_82 : i32
      %add3A_84 = vector.broadcast %mul3A_83 : i32 to vector<16xi32>
      %add3A_85 = arith.addi %add3A_9, %add3A_84 : vector<16xi32>
      %add3A_86 = arith.addi %get3A_79, %add3A_85 : vector<16xi32>
      %swap3A_87 = arith.index_cast %add3A_77 : i32 to index
      %swap3A_88 = tpu.vector_load %arg8[%swap3A_87] {strides = array<i32>} : memref<2048xi32, #tpu.memory_space<vmem>>, vector<16xi32>,
      tpu.vector_store %arg8[%swap3A_87], %add3A_86 {strides = array<i32>} : memref<2048xi32, #tpu.memory_space<vmem>>, vector<16xi32>,
      %gather3A_89 = tpu.vector_load_idx %arg7[%get3A_79] : memref<128xf32, #tpu.memory_space<vmem>>[vector<16xi32>], vector<16xf32>,
      %swap3A_90 = arith.index_cast %add3A_77 : i32 to index
      %swap3A_91 = tpu.vector_load %arg10[%swap3A_90] {strides = array<i32>} : memref<2048xf32, #tpu.memory_space<vmem>>, vector<16xf32>,
      tpu.vector_store %arg10[%swap3A_90], %gather3A_89 {strides = array<i32>} : memref<2048xf32, #tpu.memory_space<vmem>>, vector<16xf32>,
      %add3A_92 = arith.constant 64 : i32
      %add3A_93 = arith.addi %mul3A_29, %add3A_92 : i32
      %get3A_94 = arith.index_cast %add3A_93 : i32 to index
      %get3A_95 = tpu.vector_load %arg6[%get3A_94] {strides = array<i32>} : memref<2048xi32, #tpu.memory_space<vmem>>, vector<16xi32>,
      %add3A_96 = arith.constant 64 : i32
      %add3A_97 = arith.addi %mul3A_29, %add3A_96 : i32
      %mul3A_98 = arith.constant 128 : i32
      %mul3A_99 = arith.muli %add3A_97, %mul3A_98 : i32
      %add3A_100 = vector.broadcast %mul3A_99 : i32 to vector<16xi32>
      %add3A_101 = arith.addi %add3A_9, %add3A_100 : vector<16xi32>
      %add3A_102 = arith.addi %get3A_95, %add3A_101 : vector<16xi32>
      %swap3A_103 = arith.index_cast %add3A_93 : i32 to index
      %swap3A_104 = tpu.vector_load %arg8[%swap3A_103] {strides = array<i32>} : memref<2048xi32, #tpu.memory_space<vmem>>, vector<16xi32>,
      tpu.vector_store %arg8[%swap3A_103], %add3A_102 {strides = array<i32>} : memref<2048xi32, #tpu.memory_space<vmem>>, vector<16xi32>,
      %gather3A_105 = tpu.vector_load_idx %arg7[%get3A_95] : memref<128xf32, #tpu.memory_space<vmem>>[vector<16xi32>], vector<16xf32>,
      %swap3A_106 = arith.index_cast %add3A_93 : i32 to index
      %swap3A_107 = tpu.vector_load %arg10[%swap3A_106] {strides = array<i32>} : memref<2048xf32, #tpu.memory_space<vmem>>, vector<16xf32>,
      tpu.vector_store %arg10[%swap3A_106], %gather3A_105 {strides = array<i32>} : memref<2048xf32, #tpu.memory_space<vmem>>, vector<16xf32>,
      %add3A_108 = arith.constant 80 : i32
      %add3A_109 = arith.addi %mul3A_29, %add3A_108 : i32
      %get3A_110 = arith.index_cast %add3A_109 : i32 to index
      %get3A_111 = tpu.vector_load %arg6[%get3A_110] {strides = array<i32>} : memref<2048xi32, #tpu.memory_space<vmem>>, vector<16xi32>,
      %add3A_112 = arith.constant 80 : i32
      %add3A_113 = arith.addi %mul3A_29, %add3A_112 : i32
      %mul3A_114 = arith.constant 128 : i32
      %mul3A_115 = arith.muli %add3A_113, %mul3A_114 : i32
      %add3A_116 = vector.broadcast %mul3A_115 : i32 to vector<16xi32>
      %add3A_117 = arith.addi %add3A_9, %add3A_116 : vector<16xi32>
      %add3A_118 = arith.addi %get3A_111, %add3A_117 : vector<16xi32>
      %swap3A_119 = arith.index_cast %add3A_109 : i32 to index
      %swap3A_120 = tpu.vector_load %arg8[%swap3A_119] {strides = array<i32>} : memref<2048xi32, #tpu.memory_space<vmem>>, vector<16xi32>,
      tpu.vector_store %arg8[%swap3A_119], %add3A_118 {strides = array<i32>} : memref<2048xi32, #tpu.memory_space<vmem>>, vector<16xi32>,
      %gather3A_121 = tpu.vector_load_idx %arg7[%get3A_111] : memref<128xf32, #tpu.memory_space<vmem>>[vector<16xi32>], vector<16xf32>,
      %swap3A_122 = arith.index_cast %add3A_109 : i32 to index
      %swap3A_123 = tpu.vector_load %arg10[%swap3A_122] {strides = array<i32>} : memref<2048xf32, #tpu.memory_space<vmem>>, vector<16xf32>,
      tpu.vector_store %arg10[%swap3A_122], %gather3A_121 {strides = array<i32>} : memref<2048xf32, #tpu.memory_space<vmem>>, vector<16xf32>,
      %add3A_124 = arith.constant 96 : i32
      %add3A_125 = arith.addi %mul3A_29, %add3A_124 : i32
      %get3A_126 = arith.index_cast %add3A_125 : i32 to index
      %get3A_127 = tpu.vector_load %arg6[%get3A_126] {strides = array<i32>} : memref<2048xi32, #tpu.memory_space<vmem>>, vector<16xi32>,
      %add3A_128 = arith.constant 96 : i32
      %add3A_129 = arith.addi %mul3A_29, %add3A_128 : i32
      %mul3A_130 = arith.constant 128 : i32
      %mul3A_131 = arith.muli %add3A_129, %mul3A_130 : i32
      %add3A_132 = vector.broadcast %mul3A_131 : i32 to vector<16xi32>
      %add3A_133 = arith.addi %add3A_9, %add3A_132 : vector<16xi32>
      %add3A_134 = arith.addi %get3A_127, %add3A_133 : vector<16xi32>
      %swap3A_135 = arith.index_cast %add3A_125 : i32 to index
      %swap3A_136 = tpu.vector_load %arg8[%swap3A_135] {strides = array<i32>} : memref<2048xi32, #tpu.memory_space<vmem>>, vector<16xi32>,
      tpu.vector_store %arg8[%swap3A_135], %add3A_134 {strides = array<i32>} : memref<2048xi32, #tpu.memory_space<vmem>>, vector<16xi32>,
      %gather3A_137 = tpu.vector_load_idx %arg7[%get3A_127] : memref<128xf32, #tpu.memory_space<vmem>>[vector<16xi32>], vector<16xf32>,
      %swap3A_138 = arith.index_cast %add3A_125 : i32 to index
      %swap3A_139 = tpu.vector_load %arg10[%swap3A_138] {strides = array<i32>} : memref<2048xf32, #tpu.memory_space<vmem>>, vector<16xf32>,
      tpu.vector_store %arg10[%swap3A_138], %gather3A_137 {strides = array<i32>} : memref<2048xf32, #tpu.memory_space<vmem>>, vector<16xf32>,
      %add3A_140 = arith.constant 112 : i32
      %add3A_141 = arith.addi %mul3A_29, %add3A_140 : i32
      %get3A_142 = arith.index_cast %add3A_141 : i32 to index
      %get3A_143 = tpu.vector_load %arg6[%get3A_142] {strides = array<i32>} : memref<2048xi32, #tpu.memory_space<vmem>>, vector<16xi32>,
      %add3A_144 = arith.constant 112 : i32
      %add3A_145 = arith.addi %mul3A_29, %add3A_144 : i32
      %mul3A_146 = arith.constant 128 : i32
      %mul3A_147 = arith.muli %add3A_145, %mul3A_146 : i32
      %add3A_148 = vector.broadcast %mul3A_147 : i32 to vector<16xi32>
      %add3A_149 = arith.addi %add3A_9, %add3A_148 : vector<16xi32>
      %add3A_150 = arith.addi %get3A_143, %add3A_149 : vector<16xi32>
      %swap3A_151 = arith.index_cast %add3A_141 : i32 to index
      %swap3A_152 = tpu.vector_load %arg8[%swap3A_151] {strides = array<i32>} : memref<2048xi32, #tpu.memory_space<vmem>>, vector<16xi32>,
      tpu.vector_store %arg8[%swap3A_151], %add3A_150 {strides = array<i32>} : memref<2048xi32, #tpu.memory_space<vmem>>, vector<16xi32>,
      %gather3A_153 = tpu.vector_load_idx %arg7[%get3A_143] : memref<128xf32, #tpu.memory_space<vmem>>[vector<16xi32>], vector<16xf32>,
      %swap3A_154 = arith.index_cast %add3A_141 : i32 to index
      %swap3A_155 = tpu.vector_load %arg10[%swap3A_154] {strides = array<i32>} : memref<2048xf32, #tpu.memory_space<vmem>>, vector<16xf32>,
      tpu.vector_store %arg10[%swap3A_154], %gather3A_153 {strides = array<i32>} : memref<2048xf32, #tpu.memory_space<vmem>>, vector<16xf32>,
      %dma_start3A = tpu.memref_slice %arg9[%mul3A_29] : memref<2048xf32, #tpu.memory_space<vmem>> -> memref<128xf32, #tpu.memory_space<vmem>>
      %dma_start3A_156 = tpu.memref_slice %arg8[%mul3A_29] : memref<2048xi32, #tpu.memory_space<vmem>> -> memref<128xi32, #tpu.memory_space<vmem>>
      %dma_start3A_157 = arith.constant 0 : i32
      %dma_start3A_158 = tpu.memref_slice %arg2[%dma_start3A_157] : memref<8388608xf32, #tpu.memory_space<hbm>> -> memref<8388608xf32, #tpu.memory_space<hbm>>
      %dma_start3A_159 = tpu.memref_slice %arg12[%scan3A_27] : memref<16x!tpu.dma_semaphore, #tpu.memory_space<semaphore_mem>> -> memref<1x!tpu.dma_semaphore, #tpu.memory_space<semaphore_mem>>
      %dma_start3A_160 = tpu.memref_squeeze %dma_start3A_159 : memref<1x!tpu.dma_semaphore, #tpu.memory_space<semaphore_mem>> -> memref<!tpu.dma_semaphore, #tpu.memory_space<semaphore_mem>>
      tpu.enqueue_indirect_dma source(%dma_start3A_158 : memref<8388608xf32, #tpu.memory_space<hbm>>) target(%dma_start3A : memref<128xf32, #tpu.memory_space<vmem>>) offsets(%dma_start3A_156 : memref<128xi32, #tpu.memory_space<vmem>>) semaphore(%dma_start3A_160 : memref<!tpu.dma_semaphore, #tpu.memory_space<semaphore_mem>>)
      %scan3A_161 = arith.constant 1 : i32
      %scan3A_162 = arith.addi %scan3A_27, %scan3A_161 : i32
      %mul3A_163 = arith.constant 128 : i32
      %mul3A_164 = arith.muli %scan3A_162, %mul3A_163 : i32
      %add3A_165 = arith.constant 0 : i32
      %add3A_166 = arith.addi %mul3A_164, %add3A_165 : i32
      %get3A_167 = arith.index_cast %add3A_166 : i32 to index
      %get3A_168 = tpu.vector_load %arg6[%get3A_167] {strides = array<i32>} : memref<2048xi32, #tpu.memory_space<vmem>>, vector<16xi32>,
      %add3A_169 = arith.constant 0 : i32
      %add3A_170 = arith.addi %mul3A_164, %add3A_169 : i32
      %mul3A_171 = arith.constant 128 : i32
      %mul3A_172 = arith.muli %add3A_170, %mul3A_171 : i32
      %add3A_173 = vector.broadcast %mul3A_172 : i32 to vector<16xi32>
      %add3A_174 = arith.addi %add3A_9, %add3A_173 : vector<16xi32>
      %add3A_175 = arith.addi %get3A_168, %add3A_174 : vector<16xi32>
      %swap3A_176 = arith.index_cast %add3A_166 : i32 to index
      %swap3A_177 = tpu.vector_load %arg8[%swap3A_176] {strides = array<i32>} : memref<2048xi32, #tpu.memory_space<vmem>>, vector<16xi32>,
      tpu.vector_store %arg8[%swap3A_176], %add3A_175 {strides = array<i32>} : memref<2048xi32, #tpu.memory_space<vmem>>, vector<16xi32>,
      %gather3A_178 = tpu.vector_load_idx %arg7[%get3A_168] : memref<128xf32, #tpu.memory_space<vmem>>[vector<16xi32>], vector<16xf32>,
      %swap3A_179 = arith.index_cast %add3A_166 : i32 to index
      %swap3A_180 = tpu.vector_load %arg10[%swap3A_179] {strides = array<i32>} : memref<2048xf32, #tpu.memory_space<vmem>>, vector<16xf32>,
      tpu.vector_store %arg10[%swap3A_179], %gather3A_178 {strides = array<i32>} : memref<2048xf32, #tpu.memory_space<vmem>>, vector<16xf32>,
      %add3A_181 = arith.constant 16 : i32
      %add3A_182 = arith.addi %mul3A_164, %add3A_181 : i32
      %get3A_183 = arith.index_cast %add3A_182 : i32 to index
      %get3A_184 = tpu.vector_load %arg6[%get3A_183] {strides = array<i32>} : memref<2048xi32, #tpu.memory_space<vmem>>, vector<16xi32>,
      %add3A_185 = arith.constant 16 : i32
      %add3A_186 = arith.addi %mul3A_164, %add3A_185 : i32
      %mul3A_187 = arith.constant 128 : i32
      %mul3A_188 = arith.muli %add3A_186, %mul3A_187 : i32
      %add3A_189 = vector.broadcast %mul3A_188 : i32 to vector<16xi32>
      %add3A_190 = arith.addi %add3A_9, %add3A_189 : vector<16xi32>
      %add3A_191 = arith.addi %get3A_184, %add3A_190 : vector<16xi32>
      %swap3A_192 = arith.index_cast %add3A_182 : i32 to index
      %swap3A_193 = tpu.vector_load %arg8[%swap3A_192] {strides = array<i32>} : memref<2048xi32, #tpu.memory_space<vmem>>, vector<16xi32>,
      tpu.vector_store %arg8[%swap3A_192], %add3A_191 {strides = array<i32>} : memref<2048xi32, #tpu.memory_space<vmem>>, vector<16xi32>,
      %gather3A_194 = tpu.vector_load_idx %arg7[%get3A_184] : memref<128xf32, #tpu.memory_space<vmem>>[vector<16xi32>], vector<16xf32>,
      %swap3A_195 = arith.index_cast %add3A_182 : i32 to index
      %swap3A_196 = tpu.vector_load %arg10[%swap3A_195] {strides = array<i32>} : memref<2048xf32, #tpu.memory_space<vmem>>, vector<16xf32>,
      tpu.vector_store %arg10[%swap3A_195], %gather3A_194 {strides = array<i32>} : memref<2048xf32, #tpu.memory_space<vmem>>, vector<16xf32>,
      %add3A_197 = arith.constant 32 : i32
      %add3A_198 = arith.addi %mul3A_164, %add3A_197 : i32
      %get3A_199 = arith.index_cast %add3A_198 : i32 to index
      %get3A_200 = tpu.vector_load %arg6[%get3A_199] {strides = array<i32>} : memref<2048xi32, #tpu.memory_space<vmem>>, vector<16xi32>,
      %add3A_201 = arith.constant 32 : i32
      %add3A_202 = arith.addi %mul3A_164, %add3A_201 : i32
      %mul3A_203 = arith.constant 128 : i32
      %mul3A_204 = arith.muli %add3A_202, %mul3A_203 : i32
      %add3A_205 = vector.broadcast %mul3A_204 : i32 to vector<16xi32>
      %add3A_206 = arith.addi %add3A_9, %add3A_205 : vector<16xi32>
      %add3A_207 = arith.addi %get3A_200, %add3A_206 : vector<16xi32>
      %swap3A_208 = arith.index_cast %add3A_198 : i32 to index
      %swap3A_209 = tpu.vector_load %arg8[%swap3A_208] {strides = array<i32>} : memref<2048xi32, #tpu.memory_space<vmem>>, vector<16xi32>,
      tpu.vector_store %arg8[%swap3A_208], %add3A_207 {strides = array<i32>} : memref<2048xi32, #tpu.memory_space<vmem>>, vector<16xi32>,
      %gather3A_210 = tpu.vector_load_idx %arg7[%get3A_200] : memref<128xf32, #tpu.memory_space<vmem>>[vector<16xi32>], vector<16xf32>,
      %swap3A_211 = arith.index_cast %add3A_198 : i32 to index
      %swap3A_212 = tpu.vector_load %arg10[%swap3A_211] {strides = array<i32>} : memref<2048xf32, #tpu.memory_space<vmem>>, vector<16xf32>,
      tpu.vector_store %arg10[%swap3A_211], %gather3A_210 {strides = array<i32>} : memref<2048xf32, #tpu.memory_space<vmem>>, vector<16xf32>,
      %add3A_213 = arith.constant 48 : i32
      %add3A_214 = arith.addi %mul3A_164, %add3A_213 : i32
      %get3A_215 = arith.index_cast %add3A_214 : i32 to index
      %get3A_216 = tpu.vector_load %arg6[%get3A_215] {strides = array<i32>} : memref<2048xi32, #tpu.memory_space<vmem>>, vector<16xi32>,
      %add3A_217 = arith.constant 48 : i32
      %add3A_218 = arith.addi %mul3A_164, %add3A_217 : i32
      %mul3A_219 = arith.constant 128 : i32
      %mul3A_220 = arith.muli %add3A_218, %mul3A_219 : i32
      %add3A_221 = vector.broadcast %mul3A_220 : i32 to vector<16xi32>
      %add3A_222 = arith.addi %add3A_9, %add3A_221 : vector<16xi32>
      %add3A_223 = arith.addi %get3A_216, %add3A_222 : vector<16xi32>
      %swap3A_224 = arith.index_cast %add3A_214 : i32 to index
      %swap3A_225 = tpu.vector_load %arg8[%swap3A_224] {strides = array<i32>} : memref<2048xi32, #tpu.memory_space<vmem>>, vector<16xi32>,
      tpu.vector_store %arg8[%swap3A_224], %add3A_223 {strides = array<i32>} : memref<2048xi32, #tpu.memory_space<vmem>>, vector<16xi32>,
      %gather3A_226 = tpu.vector_load_idx %arg7[%get3A_216] : memref<128xf32, #tpu.memory_space<vmem>>[vector<16xi32>], vector<16xf32>,
      %swap3A_227 = arith.index_cast %add3A_214 : i32 to index
      %swap3A_228 = tpu.vector_load %arg10[%swap3A_227] {strides = array<i32>} : memref<2048xf32, #tpu.memory_space<vmem>>, vector<16xf32>,
      tpu.vector_store %arg10[%swap3A_227], %gather3A_226 {strides = array<i32>} : memref<2048xf32, #tpu.memory_space<vmem>>, vector<16xf32>,
      %add3A_229 = arith.constant 64 : i32
      %add3A_230 = arith.addi %mul3A_164, %add3A_229 : i32
      %get3A_231 = arith.index_cast %add3A_230 : i32 to index
      %get3A_232 = tpu.vector_load %arg6[%get3A_231] {strides = array<i32>} : memref<2048xi32, #tpu.memory_space<vmem>>, vector<16xi32>,
      %add3A_233 = arith.constant 64 : i32
      %add3A_234 = arith.addi %mul3A_164, %add3A_233 : i32
      %mul3A_235 = arith.constant 128 : i32
      %mul3A_236 = arith.muli %add3A_234, %mul3A_235 : i32
      %add3A_237 = vector.broadcast %mul3A_236 : i32 to vector<16xi32>
      %add3A_238 = arith.addi %add3A_9, %add3A_237 : vector<16xi32>
      %add3A_239 = arith.addi %get3A_232, %add3A_238 : vector<16xi32>
      %swap3A_240 = arith.index_cast %add3A_230 : i32 to index
      %swap3A_241 = tpu.vector_load %arg8[%swap3A_240] {strides = array<i32>} : memref<2048xi32, #tpu.memory_space<vmem>>, vector<16xi32>,
      tpu.vector_store %arg8[%swap3A_240], %add3A_239 {strides = array<i32>} : memref<2048xi32, #tpu.memory_space<vmem>>, vector<16xi32>,
      %gather3A_242 = tpu.vector_load_idx %arg7[%get3A_232] : memref<128xf32, #tpu.memory_space<vmem>>[vector<16xi32>], vector<16xf32>,
      %swap3A_243 = arith.index_cast %add3A_230 : i32 to index
      %swap3A_244 = tpu.vector_load %arg10[%swap3A_243] {strides = array<i32>} : memref<2048xf32, #tpu.memory_space<vmem>>, vector<16xf32>,
      tpu.vector_store %arg10[%swap3A_243], %gather3A_242 {strides = array<i32>} : memref<2048xf32, #tpu.memory_space<vmem>>, vector<16xf32>,
      %add3A_245 = arith.constant 80 : i32
      %add3A_246 = arith.addi %mul3A_164, %add3A_245 : i32
      %get3A_247 = arith.index_cast %add3A_246 : i32 to index
      %get3A_248 = tpu.vector_load %arg6[%get3A_247] {strides = array<i32>} : memref<2048xi32, #tpu.memory_space<vmem>>, vector<16xi32>,
      %add3A_249 = arith.constant 80 : i32
      %add3A_250 = arith.addi %mul3A_164, %add3A_249 : i32
      %mul3A_251 = arith.constant 128 : i32
      %mul3A_252 = arith.muli %add3A_250, %mul3A_251 : i32
      %add3A_253 = vector.broadcast %mul3A_252 : i32 to vector<16xi32>
      %add3A_254 = arith.addi %add3A_9, %add3A_253 : vector<16xi32>
      %add3A_255 = arith.addi %get3A_248, %add3A_254 : vector<16xi32>
      %swap3A_256 = arith.index_cast %add3A_246 : i32 to index
      %swap3A_257 = tpu.vector_load %arg8[%swap3A_256] {strides = array<i32>} : memref<2048xi32, #tpu.memory_space<vmem>>, vector<16xi32>,
      tpu.vector_store %arg8[%swap3A_256], %add3A_255 {strides = array<i32>} : memref<2048xi32, #tpu.memory_space<vmem>>, vector<16xi32>,
      %gather3A_258 = tpu.vector_load_idx %arg7[%get3A_248] : memref<128xf32, #tpu.memory_space<vmem>>[vector<16xi32>], vector<16xf32>,
      %swap3A_259 = arith.index_cast %add3A_246 : i32 to index
      %swap3A_260 = tpu.vector_load %arg10[%swap3A_259] {strides = array<i32>} : memref<2048xf32, #tpu.memory_space<vmem>>, vector<16xf32>,
      tpu.vector_store %arg10[%swap3A_259], %gather3A_258 {strides = array<i32>} : memref<2048xf32, #tpu.memory_space<vmem>>, vector<16xf32>,
      %add3A_261 = arith.constant 96 : i32
      %add3A_262 = arith.addi %mul3A_164, %add3A_261 : i32
      %get3A_263 = arith.index_cast %add3A_262 : i32 to index
      %get3A_264 = tpu.vector_load %arg6[%get3A_263] {strides = array<i32>} : memref<2048xi32, #tpu.memory_space<vmem>>, vector<16xi32>,
      %add3A_265 = arith.constant 96 : i32
      %add3A_266 = arith.addi %mul3A_164, %add3A_265 : i32
      %mul3A_267 = arith.constant 128 : i32
      %mul3A_268 = arith.muli %add3A_266, %mul3A_267 : i32
      %add3A_269 = vector.broadcast %mul3A_268 : i32 to vector<16xi32>
      %add3A_270 = arith.addi %add3A_9, %add3A_269 : vector<16xi32>
      %add3A_271 = arith.addi %get3A_264, %add3A_270 : vector<16xi32>
      %swap3A_272 = arith.index_cast %add3A_262 : i32 to index
      %swap3A_273 = tpu.vector_load %arg8[%swap3A_272] {strides = array<i32>} : memref<2048xi32, #tpu.memory_space<vmem>>, vector<16xi32>,
      tpu.vector_store %arg8[%swap3A_272], %add3A_271 {strides = array<i32>} : memref<2048xi32, #tpu.memory_space<vmem>>, vector<16xi32>,
      %gather3A_274 = tpu.vector_load_idx %arg7[%get3A_264] : memref<128xf32, #tpu.memory_space<vmem>>[vector<16xi32>], vector<16xf32>,
      %swap3A_275 = arith.index_cast %add3A_262 : i32 to index
      %swap3A_276 = tpu.vector_load %arg10[%swap3A_275] {strides = array<i32>} : memref<2048xf32, #tpu.memory_space<vmem>>, vector<16xf32>,
      tpu.vector_store %arg10[%swap3A_275], %gather3A_274 {strides = array<i32>} : memref<2048xf32, #tpu.memory_space<vmem>>, vector<16xf32>,
      %add3A_277 = arith.constant 112 : i32
      %add3A_278 = arith.addi %mul3A_164, %add3A_277 : i32
      %get3A_279 = arith.index_cast %add3A_278 : i32 to index
      %get3A_280 = tpu.vector_load %arg6[%get3A_279] {strides = array<i32>} : memref<2048xi32, #tpu.memory_space<vmem>>, vector<16xi32>,
      %add3A_281 = arith.constant 112 : i32
      %add3A_282 = arith.addi %mul3A_164, %add3A_281 : i32
      %mul3A_283 = arith.constant 128 : i32
      %mul3A_284 = arith.muli %add3A_282, %mul3A_283 : i32
      %add3A_285 = vector.broadcast %mul3A_284 : i32 to vector<16xi32>
      %add3A_286 = arith.addi %add3A_9, %add3A_285 : vector<16xi32>
      %add3A_287 = arith.addi %get3A_280, %add3A_286 : vector<16xi32>
      %swap3A_288 = arith.index_cast %add3A_278 : i32 to index
      %swap3A_289 = tpu.vector_load %arg8[%swap3A_288] {strides = array<i32>} : memref<2048xi32, #tpu.memory_space<vmem>>, vector<16xi32>,
      tpu.vector_store %arg8[%swap3A_288], %add3A_287 {strides = array<i32>} : memref<2048xi32, #tpu.memory_space<vmem>>, vector<16xi32>,
      %gather3A_290 = tpu.vector_load_idx %arg7[%get3A_280] : memref<128xf32, #tpu.memory_space<vmem>>[vector<16xi32>], vector<16xf32>,
      %swap3A_291 = arith.index_cast %add3A_278 : i32 to index
      %swap3A_292 = tpu.vector_load %arg10[%swap3A_291] {strides = array<i32>} : memref<2048xf32, #tpu.memory_space<vmem>>, vector<16xf32>,
      tpu.vector_store %arg10[%swap3A_291], %gather3A_290 {strides = array<i32>} : memref<2048xf32, #tpu.memory_space<vmem>>, vector<16xf32>,
      %dma_start3A_293 = tpu.memref_slice %arg9[%mul3A_164] : memref<2048xf32, #tpu.memory_space<vmem>> -> memref<128xf32, #tpu.memory_space<vmem>>
      %dma_start3A_294 = tpu.memref_slice %arg8[%mul3A_164] : memref<2048xi32, #tpu.memory_space<vmem>> -> memref<128xi32, #tpu.memory_space<vmem>>
      %dma_start3A_295 = arith.constant 0 : i32
      %dma_start3A_296 = tpu.memref_slice %arg2[%dma_start3A_295] : memref<8388608xf32, #tpu.memory_space<hbm>> -> memref<8388608xf32, #tpu.memory_space<hbm>>
      %dma_start3A_297 = tpu.memref_slice %arg12[%scan3A_162] : memref<16x!tpu.dma_semaphore, #tpu.memory_space<semaphore_mem>> -> memref<1x!tpu.dma_semaphore, #tpu.memory_space<semaphore_mem>>
      %dma_start3A_298 = tpu.memref_squeeze %dma_start3A_297 : memref<1x!tpu.dma_semaphore, #tpu.memory_space<semaphore_mem>> -> memref<!tpu.dma_semaphore, #tpu.memory_space<semaphore_mem>>
      tpu.enqueue_indirect_dma source(%dma_start3A_296 : memref<8388608xf32, #tpu.memory_space<hbm>>) target(%dma_start3A_293 : memref<128xf32, #tpu.memory_space<vmem>>) offsets(%dma_start3A_294 : memref<128xi32, #tpu.memory_space<vmem>>) semaphore(%dma_start3A_298 : memref<!tpu.dma_semaphore, #tpu.memory_space<semaphore_mem>>)
      %scan3A_299 = arith.constant 2 : i32
      %scan3A_300 = arith.addi %scan3A_27, %scan3A_299 : i32
      %mul3A_301 = arith.constant 128 : i32
      %mul3A_302 = arith.muli %scan3A_300, %mul3A_301 : i32
      %add3A_303 = arith.constant 0 : i32
      %add3A_304 = arith.addi %mul3A_302, %add3A_303 : i32
      %get3A_305 = arith.index_cast %add3A_304 : i32 to index
      %get3A_306 = tpu.vector_load %arg6[%get3A_305] {strides = array<i32>} : memref<2048xi32, #tpu.memory_space<vmem>>, vector<16xi32>,
      %add3A_307 = arith.constant 0 : i32
      %add3A_308 = arith.addi %mul3A_302, %add3A_307 : i32
      %mul3A_309 = arith.constant 128 : i32
      %mul3A_310 = arith.muli %add3A_308, %mul3A_309 : i32
      %add3A_311 = vector.broadcast %mul3A_310 : i32 to vector<16xi32>
      %add3A_312 = arith.addi %add3A_9, %add3A_311 : vector<16xi32>
      %add3A_313 = arith.addi %get3A_306, %add3A_312 : vector<16xi32>
      %swap3A_314 = arith.index_cast %add3A_304 : i32 to index
      %swap3A_315 = tpu.vector_load %arg8[%swap3A_314] {strides = array<i32>} : memref<2048xi32, #tpu.memory_space<vmem>>, vector<16xi32>,
      tpu.vector_store %arg8[%swap3A_314], %add3A_313 {strides = array<i32>} : memref<2048xi32, #tpu.memory_space<vmem>>, vector<16xi32>,
      %gather3A_316 = tpu.vector_load_idx %arg7[%get3A_306] : memref<128xf32, #tpu.memory_space<vmem>>[vector<16xi32>], vector<16xf32>,
      %swap3A_317 = arith.index_cast %add3A_304 : i32 to index
      %swap3A_318 = tpu.vector_load %arg10[%swap3A_317] {strides = array<i32>} : memref<2048xf32, #tpu.memory_space<vmem>>, vector<16xf32>,
      tpu.vector_store %arg10[%swap3A_317], %gather3A_316 {strides = array<i32>} : memref<2048xf32, #tpu.memory_space<vmem>>, vector<16xf32>,
      %add3A_319 = arith.constant 16 : i32
      %add3A_320 = arith.addi %mul3A_302, %add3A_319 : i32
      %get3A_321 = arith.index_cast %add3A_320 : i32 to index
      %get3A_322 = tpu.vector_load %arg6[%get3A_321] {strides = array<i32>} : memref<2048xi32, #tpu.memory_space<vmem>>, vector<16xi32>,
      %add3A_323 = arith.constant 16 : i32
      %add3A_324 = arith.addi %mul3A_302, %add3A_323 : i32
      %mul3A_325 = arith.constant 128 : i32
      %mul3A_326 = arith.muli %add3A_324, %mul3A_325 : i32
      %add3A_327 = vector.broadcast %mul3A_326 : i32 to vector<16xi32>
      %add3A_328 = arith.addi %add3A_9, %add3A_327 : vector<16xi32>
      %add3A_329 = arith.addi %get3A_322, %add3A_328 : vector<16xi32>
      %swap3A_330 = arith.index_cast %add3A_320 : i32 to index
      %swap3A_331 = tpu.vector_load %arg8[%swap3A_330] {strides = array<i32>} : memref<2048xi32, #tpu.memory_space<vmem>>, vector<16xi32>,
      tpu.vector_store %arg8[%swap3A_330], %add3A_329 {strides = array<i32>} : memref<2048xi32, #tpu.memory_space<vmem>>, vector<16xi32>,
      %gather3A_332 = tpu.vector_load_idx %arg7[%get3A_322] : memref<128xf32, #tpu.memory_space<vmem>>[vector<16xi32>], vector<16xf32>,
      %swap3A_333 = arith.index_cast %add3A_320 : i32 to index
      %swap3A_334 = tpu.vector_load %arg10[%swap3A_333] {strides = array<i32>} : memref<2048xf32, #tpu.memory_space<vmem>>, vector<16xf32>,
      tpu.vector_store %arg10[%swap3A_333], %gather3A_332 {strides = array<i32>} : memref<2048xf32, #tpu.memory_space<vmem>>, vector<16xf32>,
      %add3A_335 = arith.constant 32 : i32
      %add3A_336 = arith.addi %mul3A_302, %add3A_335 : i32
      %get3A_337 = arith.index_cast %add3A_336 : i32 to index
      %get3A_338 = tpu.vector_load %arg6[%get3A_337] {strides = array<i32>} : memref<2048xi32, #tpu.memory_space<vmem>>, vector<16xi32>,
      %add3A_339 = arith.constant 32 : i32
      %add3A_340 = arith.addi %mul3A_302, %add3A_339 : i32
      %mul3A_341 = arith.constant 128 : i32
      %mul3A_342 = arith.muli %add3A_340, %mul3A_341 : i32
      %add3A_343 = vector.broadcast %mul3A_342 : i32 to vector<16xi32>
      %add3A_344 = arith.addi %add3A_9, %add3A_343 : vector<16xi32>
      %add3A_345 = arith.addi %get3A_338, %add3A_344 : vector<16xi32>
      %swap3A_346 = arith.index_cast %add3A_336 : i32 to index
      %swap3A_347 = tpu.vector_load %arg8[%swap3A_346] {strides = array<i32>} : memref<2048xi32, #tpu.memory_space<vmem>>, vector<16xi32>,
      tpu.vector_store %arg8[%swap3A_346], %add3A_345 {strides = array<i32>} : memref<2048xi32, #tpu.memory_space<vmem>>, vector<16xi32>,
      %gather3A_348 = tpu.vector_load_idx %arg7[%get3A_338] : memref<128xf32, #tpu.memory_space<vmem>>[vector<16xi32>], vector<16xf32>,
      %swap3A_349 = arith.index_cast %add3A_336 : i32 to index
      %swap3A_350 = tpu.vector_load %arg10[%swap3A_349] {strides = array<i32>} : memref<2048xf32, #tpu.memory_space<vmem>>, vector<16xf32>,
      tpu.vector_store %arg10[%swap3A_349], %gather3A_348 {strides = array<i32>} : memref<2048xf32, #tpu.memory_space<vmem>>, vector<16xf32>,
      %add3A_351 = arith.constant 48 : i32
      %add3A_352 = arith.addi %mul3A_302, %add3A_351 : i32
      %get3A_353 = arith.index_cast %add3A_352 : i32 to index
      %get3A_354 = tpu.vector_load %arg6[%get3A_353] {strides = array<i32>} : memref<2048xi32, #tpu.memory_space<vmem>>, vector<16xi32>,
      %add3A_355 = arith.constant 48 : i32
      %add3A_356 = arith.addi %mul3A_302, %add3A_355 : i32
      %mul3A_357 = arith.constant 128 : i32
      %mul3A_358 = arith.muli %add3A_356, %mul3A_357 : i32
      %add3A_359 = vector.broadcast %mul3A_358 : i32 to vector<16xi32>
      %add3A_360 = arith.addi %add3A_9, %add3A_359 : vector<16xi32>
      %add3A_361 = arith.addi %get3A_354, %add3A_360 : vector<16xi32>
      %swap3A_362 = arith.index_cast %add3A_352 : i32 to index
      %swap3A_363 = tpu.vector_load %arg8[%swap3A_362] {strides = array<i32>} : memref<2048xi32, #tpu.memory_space<vmem>>, vector<16xi32>,
      tpu.vector_store %arg8[%swap3A_362], %add3A_361 {strides = array<i32>} : memref<2048xi32, #tpu.memory_space<vmem>>, vector<16xi32>,
      %gather3A_364 = tpu.vector_load_idx %arg7[%get3A_354] : memref<128xf32, #tpu.memory_space<vmem>>[vector<16xi32>], vector<16xf32>,
      %swap3A_365 = arith.index_cast %add3A_352 : i32 to index
      %swap3A_366 = tpu.vector_load %arg10[%swap3A_365] {strides = array<i32>} : memref<2048xf32, #tpu.memory_space<vmem>>, vector<16xf32>,
      tpu.vector_store %arg10[%swap3A_365], %gather3A_364 {strides = array<i32>} : memref<2048xf32, #tpu.memory_space<vmem>>, vector<16xf32>,
      %add3A_367 = arith.constant 64 : i32
      %add3A_368 = arith.addi %mul3A_302, %add3A_367 : i32
      %get3A_369 = arith.index_cast %add3A_368 : i32 to index
      %get3A_370 = tpu.vector_load %arg6[%get3A_369] {strides = array<i32>} : memref<2048xi32, #tpu.memory_space<vmem>>, vector<16xi32>,
      %add3A_371 = arith.constant 64 : i32
      %add3A_372 = arith.addi %mul3A_302, %add3A_371 : i32
      %mul3A_373 = arith.constant 128 : i32
      %mul3A_374 = arith.muli %add3A_372, %mul3A_373 : i32
      %add3A_375 = vector.broadcast %mul3A_374 : i32 to vector<16xi32>
      %add3A_376 = arith.addi %add3A_9, %add3A_375 : vector<16xi32>
      %add3A_377 = arith.addi %get3A_370, %add3A_376 : vector<16xi32>
      %swap3A_378 = arith.index_cast %add3A_368 : i32 to index
      %swap3A_379 = tpu.vector_load %arg8[%swap3A_378] {strides = array<i32>} : memref<2048xi32, #tpu.memory_space<vmem>>, vector<16xi32>,
      tpu.vector_store %arg8[%swap3A_378], %add3A_377 {strides = array<i32>} : memref<2048xi32, #tpu.memory_space<vmem>>, vector<16xi32>,
      %gather3A_380 = tpu.vector_load_idx %arg7[%get3A_370] : memref<128xf32, #tpu.memory_space<vmem>>[vector<16xi32>], vector<16xf32>,
      %swap3A_381 = arith.index_cast %add3A_368 : i32 to index
      %swap3A_382 = tpu.vector_load %arg10[%swap3A_381] {strides = array<i32>} : memref<2048xf32, #tpu.memory_space<vmem>>, vector<16xf32>,
      tpu.vector_store %arg10[%swap3A_381], %gather3A_380 {strides = array<i32>} : memref<2048xf32, #tpu.memory_space<vmem>>, vector<16xf32>,
      %add3A_383 = arith.constant 80 : i32
      %add3A_384 = arith.addi %mul3A_302, %add3A_383 : i32
      %get3A_385 = arith.index_cast %add3A_384 : i32 to index
      %get3A_386 = tpu.vector_load %arg6[%get3A_385] {strides = array<i32>} : memref<2048xi32, #tpu.memory_space<vmem>>, vector<16xi32>,
      %add3A_387 = arith.constant 80 : i32
      %add3A_388 = arith.addi %mul3A_302, %add3A_387 : i32
      %mul3A_389 = arith.constant 128 : i32
      %mul3A_390 = arith.muli %add3A_388, %mul3A_389 : i32
      %add3A_391 = vector.broadcast %mul3A_390 : i32 to vector<16xi32>
      %add3A_392 = arith.addi %add3A_9, %add3A_391 : vector<16xi32>
      %add3A_393 = arith.addi %get3A_386, %add3A_392 : vector<16xi32>
      %swap3A_394 = arith.index_cast %add3A_384 : i32 to index
      %swap3A_395 = tpu.vector_load %arg8[%swap3A_394] {strides = array<i32>} : memref<2048xi32, #tpu.memory_space<vmem>>, vector<16xi32>,
      tpu.vector_store %arg8[%swap3A_394], %add3A_393 {strides = array<i32>} : memref<2048xi32, #tpu.memory_space<vmem>>, vector<16xi32>,
      %gather3A_396 = tpu.vector_load_idx %arg7[%get3A_386] : memref<128xf32, #tpu.memory_space<vmem>>[vector<16xi32>], vector<16xf32>,
      %swap3A_397 = arith.index_cast %add3A_384 : i32 to index
      %swap3A_398 = tpu.vector_load %arg10[%swap3A_397] {strides = array<i32>} : memref<2048xf32, #tpu.memory_space<vmem>>, vector<16xf32>,
      tpu.vector_store %arg10[%swap3A_397], %gather3A_396 {strides = array<i32>} : memref<2048xf32, #tpu.memory_space<vmem>>, vector<16xf32>,
      %add3A_399 = arith.constant 96 : i32
      %add3A_400 = arith.addi %mul3A_302, %add3A_399 : i32
      %get3A_401 = arith.index_cast %add3A_400 : i32 to index
      %get3A_402 = tpu.vector_load %arg6[%get3A_401] {strides = array<i32>} : memref<2048xi32, #tpu.memory_space<vmem>>, vector<16xi32>,
      %add3A_403 = arith.constant 96 : i32
      %add3A_404 = arith.addi %mul3A_302, %add3A_403 : i32
      %mul3A_405 = arith.constant 128 : i32
      %mul3A_406 = arith.muli %add3A_404, %mul3A_405 : i32
      %add3A_407 = vector.broadcast %mul3A_406 : i32 to vector<16xi32>
      %add3A_408 = arith.addi %add3A_9, %add3A_407 : vector<16xi32>
      %add3A_409 = arith.addi %get3A_402, %add3A_408 : vector<16xi32>
      %swap3A_410 = arith.index_cast %add3A_400 : i32 to index
      %swap3A_411 = tpu.vector_load %arg8[%swap3A_410] {strides = array<i32>} : memref<2048xi32, #tpu.memory_space<vmem>>, vector<16xi32>,
      tpu.vector_store %arg8[%swap3A_410], %add3A_409 {strides = array<i32>} : memref<2048xi32, #tpu.memory_space<vmem>>, vector<16xi32>,
      %gather3A_412 = tpu.vector_load_idx %arg7[%get3A_402] : memref<128xf32, #tpu.memory_space<vmem>>[vector<16xi32>], vector<16xf32>,
      %swap3A_413 = arith.index_cast %add3A_400 : i32 to index
      %swap3A_414 = tpu.vector_load %arg10[%swap3A_413] {strides = array<i32>} : memref<2048xf32, #tpu.memory_space<vmem>>, vector<16xf32>,
      tpu.vector_store %arg10[%swap3A_413], %gather3A_412 {strides = array<i32>} : memref<2048xf32, #tpu.memory_space<vmem>>, vector<16xf32>,
      %add3A_415 = arith.constant 112 : i32
      %add3A_416 = arith.addi %mul3A_302, %add3A_415 : i32
      %get3A_417 = arith.index_cast %add3A_416 : i32 to index
      %get3A_418 = tpu.vector_load %arg6[%get3A_417] {strides = array<i32>} : memref<2048xi32, #tpu.memory_space<vmem>>, vector<16xi32>,
      %add3A_419 = arith.constant 112 : i32
      %add3A_420 = arith.addi %mul3A_302, %add3A_419 : i32
      %mul3A_421 = arith.constant 128 : i32
      %mul3A_422 = arith.muli %add3A_420, %mul3A_421 : i32
      %add3A_423 = vector.broadcast %mul3A_422 : i32 to vector<16xi32>
      %add3A_424 = arith.addi %add3A_9, %add3A_423 : vector<16xi32>
      %add3A_425 = arith.addi %get3A_418, %add3A_424 : vector<16xi32>
      %swap3A_426 = arith.index_cast %add3A_416 : i32 to index
      %swap3A_427 = tpu.vector_load %arg8[%swap3A_426] {strides = array<i32>} : memref<2048xi32, #tpu.memory_space<vmem>>, vector<16xi32>,
      tpu.vector_store %arg8[%swap3A_426], %add3A_425 {strides = array<i32>} : memref<2048xi32, #tpu.memory_space<vmem>>, vector<16xi32>,
      %gather3A_428 = tpu.vector_load_idx %arg7[%get3A_418] : memref<128xf32, #tpu.memory_space<vmem>>[vector<16xi32>], vector<16xf32>,
      %swap3A_429 = arith.index_cast %add3A_416 : i32 to index
      %swap3A_430 = tpu.vector_load %arg10[%swap3A_429] {strides = array<i32>} : memref<2048xf32, #tpu.memory_space<vmem>>, vector<16xf32>,
      tpu.vector_store %arg10[%swap3A_429], %gather3A_428 {strides = array<i32>} : memref<2048xf32, #tpu.memory_space<vmem>>, vector<16xf32>,
      %dma_start3A_431 = tpu.memref_slice %arg9[%mul3A_302] : memref<2048xf32, #tpu.memory_space<vmem>> -> memref<128xf32, #tpu.memory_space<vmem>>
      %dma_start3A_432 = tpu.memref_slice %arg8[%mul3A_302] : memref<2048xi32, #tpu.memory_space<vmem>> -> memref<128xi32, #tpu.memory_space<vmem>>
      %dma_start3A_433 = arith.constant 0 : i32
      %dma_start3A_434 = tpu.memref_slice %arg2[%dma_start3A_433] : memref<8388608xf32, #tpu.memory_space<hbm>> -> memref<8388608xf32, #tpu.memory_space<hbm>>
      %dma_start3A_435 = tpu.memref_slice %arg12[%scan3A_300] : memref<16x!tpu.dma_semaphore, #tpu.memory_space<semaphore_mem>> -> memref<1x!tpu.dma_semaphore, #tpu.memory_space<semaphore_mem>>
      %dma_start3A_436 = tpu.memref_squeeze %dma_start3A_435 : memref<1x!tpu.dma_semaphore, #tpu.memory_space<semaphore_mem>> -> memref<!tpu.dma_semaphore, #tpu.memory_space<semaphore_mem>>
      tpu.enqueue_indirect_dma source(%dma_start3A_434 : memref<8388608xf32, #tpu.memory_space<hbm>>) target(%dma_start3A_431 : memref<128xf32, #tpu.memory_space<vmem>>) offsets(%dma_start3A_432 : memref<128xi32, #tpu.memory_space<vmem>>) semaphore(%dma_start3A_436 : memref<!tpu.dma_semaphore, #tpu.memory_space<semaphore_mem>>)
      %scan3A_437 = arith.constant 3 : i32
      %scan3A_438 = arith.addi %scan3A_27, %scan3A_437 : i32
      %mul3A_439 = arith.constant 128 : i32
      %mul3A_440 = arith.muli %scan3A_438, %mul3A_439 : i32
      %add3A_441 = arith.constant 0 : i32
      %add3A_442 = arith.addi %mul3A_440, %add3A_441 : i32
      %get3A_443 = arith.index_cast %add3A_442 : i32 to index
      %get3A_444 = tpu.vector_load %arg6[%get3A_443] {strides = array<i32>} : memref<2048xi32, #tpu.memory_space<vmem>>, vector<16xi32>,
      %add3A_445 = arith.constant 0 : i32
      %add3A_446 = arith.addi %mul3A_440, %add3A_445 : i32
      %mul3A_447 = arith.constant 128 : i32
      %mul3A_448 = arith.muli %add3A_446, %mul3A_447 : i32
      %add3A_449 = vector.broadcast %mul3A_448 : i32 to vector<16xi32>
      %add3A_450 = arith.addi %add3A_9, %add3A_449 : vector<16xi32>
      %add3A_451 = arith.addi %get3A_444, %add3A_450 : vector<16xi32>
      %swap3A_452 = arith.index_cast %add3A_442 : i32 to index
      %swap3A_453 = tpu.vector_load %arg8[%swap3A_452] {strides = array<i32>} : memref<2048xi32, #tpu.memory_space<vmem>>, vector<16xi32>,
      tpu.vector_store %arg8[%swap3A_452], %add3A_451 {strides = array<i32>} : memref<2048xi32, #tpu.memory_space<vmem>>, vector<16xi32>,
      %gather3A_454 = tpu.vector_load_idx %arg7[%get3A_444] : memref<128xf32, #tpu.memory_space<vmem>>[vector<16xi32>], vector<16xf32>,
      %swap3A_455 = arith.index_cast %add3A_442 : i32 to index
      %swap3A_456 = tpu.vector_load %arg10[%swap3A_455] {strides = array<i32>} : memref<2048xf32, #tpu.memory_space<vmem>>, vector<16xf32>,
      tpu.vector_store %arg10[%swap3A_455], %gather3A_454 {strides = array<i32>} : memref<2048xf32, #tpu.memory_space<vmem>>, vector<16xf32>,
      %add3A_457 = arith.constant 16 : i32
      %add3A_458 = arith.addi %mul3A_440, %add3A_457 : i32
      %get3A_459 = arith.index_cast %add3A_458 : i32 to index
      %get3A_460 = tpu.vector_load %arg6[%get3A_459] {strides = array<i32>} : memref<2048xi32, #tpu.memory_space<vmem>>, vector<16xi32>,
      %add3A_461 = arith.constant 16 : i32
      %add3A_462 = arith.addi %mul3A_440, %add3A_461 : i32
      %mul3A_463 = arith.constant 128 : i32
      %mul3A_464 = arith.muli %add3A_462, %mul3A_463 : i32
      %add3A_465 = vector.broadcast %mul3A_464 : i32 to vector<16xi32>
      %add3A_466 = arith.addi %add3A_9, %add3A_465 : vector<16xi32>
      %add3A_467 = arith.addi %get3A_460, %add3A_466 : vector<16xi32>
      %swap3A_468 = arith.index_cast %add3A_458 : i32 to index
      %swap3A_469 = tpu.vector_load %arg8[%swap3A_468] {strides = array<i32>} : memref<2048xi32, #tpu.memory_space<vmem>>, vector<16xi32>,
      tpu.vector_store %arg8[%swap3A_468], %add3A_467 {strides = array<i32>} : memref<2048xi32, #tpu.memory_space<vmem>>, vector<16xi32>,
      %gather3A_470 = tpu.vector_load_idx %arg7[%get3A_460] : memref<128xf32, #tpu.memory_space<vmem>>[vector<16xi32>], vector<16xf32>,
      %swap3A_471 = arith.index_cast %add3A_458 : i32 to index
      %swap3A_472 = tpu.vector_load %arg10[%swap3A_471] {strides = array<i32>} : memref<2048xf32, #tpu.memory_space<vmem>>, vector<16xf32>,
      tpu.vector_store %arg10[%swap3A_471], %gather3A_470 {strides = array<i32>} : memref<2048xf32, #tpu.memory_space<vmem>>, vector<16xf32>,
      %add3A_473 = arith.constant 32 : i32
      %add3A_474 = arith.addi %mul3A_440, %add3A_473 : i32
      %get3A_475 = arith.index_cast %add3A_474 : i32 to index
      %get3A_476 = tpu.vector_load %arg6[%get3A_475] {strides = array<i32>} : memref<2048xi32, #tpu.memory_space<vmem>>, vector<16xi32>,
      %add3A_477 = arith.constant 32 : i32
      %add3A_478 = arith.addi %mul3A_440, %add3A_477 : i32
      %mul3A_479 = arith.constant 128 : i32
      %mul3A_480 = arith.muli %add3A_478, %mul3A_479 : i32
      %add3A_481 = vector.broadcast %mul3A_480 : i32 to vector<16xi32>
      %add3A_482 = arith.addi %add3A_9, %add3A_481 : vector<16xi32>
      %add3A_483 = arith.addi %get3A_476, %add3A_482 : vector<16xi32>
      %swap3A_484 = arith.index_cast %add3A_474 : i32 to index
      %swap3A_485 = tpu.vector_load %arg8[%swap3A_484] {strides = array<i32>} : memref<2048xi32, #tpu.memory_space<vmem>>, vector<16xi32>,
      tpu.vector_store %arg8[%swap3A_484], %add3A_483 {strides = array<i32>} : memref<2048xi32, #tpu.memory_space<vmem>>, vector<16xi32>,
      %gather3A_486 = tpu.vector_load_idx %arg7[%get3A_476] : memref<128xf32, #tpu.memory_space<vmem>>[vector<16xi32>], vector<16xf32>,
      %swap3A_487 = arith.index_cast %add3A_474 : i32 to index
      %swap3A_488 = tpu.vector_load %arg10[%swap3A_487] {strides = array<i32>} : memref<2048xf32, #tpu.memory_space<vmem>>, vector<16xf32>,
      tpu.vector_store %arg10[%swap3A_487], %gather3A_486 {strides = array<i32>} : memref<2048xf32, #tpu.memory_space<vmem>>, vector<16xf32>,
      %add3A_489 = arith.constant 48 : i32
      %add3A_490 = arith.addi %mul3A_440, %add3A_489 : i32
      %get3A_491 = arith.index_cast %add3A_490 : i32 to index
      %get3A_492 = tpu.vector_load %arg6[%get3A_491] {strides = array<i32>} : memref<2048xi32, #tpu.memory_space<vmem>>, vector<16xi32>,
      %add3A_493 = arith.constant 48 : i32
      %add3A_494 = arith.addi %mul3A_440, %add3A_493 : i32
      %mul3A_495 = arith.constant 128 : i32
      %mul3A_496 = arith.muli %add3A_494, %mul3A_495 : i32
      %add3A_497 = vector.broadcast %mul3A_496 : i32 to vector<16xi32>
      %add3A_498 = arith.addi %add3A_9, %add3A_497 : vector<16xi32>
      %add3A_499 = arith.addi %get3A_492, %add3A_498 : vector<16xi32>
      %swap3A_500 = arith.index_cast %add3A_490 : i32 to index
      %swap3A_501 = tpu.vector_load %arg8[%swap3A_500] {strides = array<i32>} : memref<2048xi32, #tpu.memory_space<vmem>>, vector<16xi32>,
      tpu.vector_store %arg8[%swap3A_500], %add3A_499 {strides = array<i32>} : memref<2048xi32, #tpu.memory_space<vmem>>, vector<16xi32>,
      %gather3A_502 = tpu.vector_load_idx %arg7[%get3A_492] : memref<128xf32, #tpu.memory_space<vmem>>[vector<16xi32>], vector<16xf32>,
      %swap3A_503 = arith.index_cast %add3A_490 : i32 to index
      %swap3A_504 = tpu.vector_load %arg10[%swap3A_503] {strides = array<i32>} : memref<2048xf32, #tpu.memory_space<vmem>>, vector<16xf32>,
      tpu.vector_store %arg10[%swap3A_503], %gather3A_502 {strides = array<i32>} : memref<2048xf32, #tpu.memory_space<vmem>>, vector<16xf32>,
      %add3A_505 = arith.constant 64 : i32
      %add3A_506 = arith.addi %mul3A_440, %add3A_505 : i32
      %get3A_507 = arith.index_cast %add3A_506 : i32 to index
      %get3A_508 = tpu.vector_load %arg6[%get3A_507] {strides = array<i32>} : memref<2048xi32, #tpu.memory_space<vmem>>, vector<16xi32>,
      %add3A_509 = arith.constant 64 : i32
      %add3A_510 = arith.addi %mul3A_440, %add3A_509 : i32
      %mul3A_511 = arith.constant 128 : i32
      %mul3A_512 = arith.muli %add3A_510, %mul3A_511 : i32
      %add3A_513 = vector.broadcast %mul3A_512 : i32 to vector<16xi32>
      %add3A_514 = arith.addi %add3A_9, %add3A_513 : vector<16xi32>
      %add3A_515 = arith.addi %get3A_508, %add3A_514 : vector<16xi32>
      %swap3A_516 = arith.index_cast %add3A_506 : i32 to index
      %swap3A_517 = tpu.vector_load %arg8[%swap3A_516] {strides = array<i32>} : memref<2048xi32, #tpu.memory_space<vmem>>, vector<16xi32>,
      tpu.vector_store %arg8[%swap3A_516], %add3A_515 {strides = array<i32>} : memref<2048xi32, #tpu.memory_space<vmem>>, vector<16xi32>,
      %gather3A_518 = tpu.vector_load_idx %arg7[%get3A_508] : memref<128xf32, #tpu.memory_space<vmem>>[vector<16xi32>], vector<16xf32>,
      %swap3A_519 = arith.index_cast %add3A_506 : i32 to index
      %swap3A_520 = tpu.vector_load %arg10[%swap3A_519] {strides = array<i32>} : memref<2048xf32, #tpu.memory_space<vmem>>, vector<16xf32>,
      tpu.vector_store %arg10[%swap3A_519], %gather3A_518 {strides = array<i32>} : memref<2048xf32, #tpu.memory_space<vmem>>, vector<16xf32>,
      %add3A_521 = arith.constant 80 : i32
      %add3A_522 = arith.addi %mul3A_440, %add3A_521 : i32
      %get3A_523 = arith.index_cast %add3A_522 : i32 to index
      %get3A_524 = tpu.vector_load %arg6[%get3A_523] {strides = array<i32>} : memref<2048xi32, #tpu.memory_space<vmem>>, vector<16xi32>,
      %add3A_525 = arith.constant 80 : i32
      %add3A_526 = arith.addi %mul3A_440, %add3A_525 : i32
      %mul3A_527 = arith.constant 128 : i32
      %mul3A_528 = arith.muli %add3A_526, %mul3A_527 : i32
      %add3A_529 = vector.broadcast %mul3A_528 : i32 to vector<16xi32>
      %add3A_530 = arith.addi %add3A_9, %add3A_529 : vector<16xi32>
      %add3A_531 = arith.addi %get3A_524, %add3A_530 : vector<16xi32>
      %swap3A_532 = arith.index_cast %add3A_522 : i32 to index
      %swap3A_533 = tpu.vector_load %arg8[%swap3A_532] {strides = array<i32>} : memref<2048xi32, #tpu.memory_space<vmem>>, vector<16xi32>,
      tpu.vector_store %arg8[%swap3A_532], %add3A_531 {strides = array<i32>} : memref<2048xi32, #tpu.memory_space<vmem>>, vector<16xi32>,
      %gather3A_534 = tpu.vector_load_idx %arg7[%get3A_524] : memref<128xf32, #tpu.memory_space<vmem>>[vector<16xi32>], vector<16xf32>,
      %swap3A_535 = arith.index_cast %add3A_522 : i32 to index
      %swap3A_536 = tpu.vector_load %arg10[%swap3A_535] {strides = array<i32>} : memref<2048xf32, #tpu.memory_space<vmem>>, vector<16xf32>,
      tpu.vector_store %arg10[%swap3A_535], %gather3A_534 {strides = array<i32>} : memref<2048xf32, #tpu.memory_space<vmem>>, vector<16xf32>,
      %add3A_537 = arith.constant 96 : i32
      %add3A_538 = arith.addi %mul3A_440, %add3A_537 : i32
      %get3A_539 = arith.index_cast %add3A_538 : i32 to index
      %get3A_540 = tpu.vector_load %arg6[%get3A_539] {strides = array<i32>} : memref<2048xi32, #tpu.memory_space<vmem>>, vector<16xi32>,
      %add3A_541 = arith.constant 96 : i32
      %add3A_542 = arith.addi %mul3A_440, %add3A_541 : i32
      %mul3A_543 = arith.constant 128 : i32
      %mul3A_544 = arith.muli %add3A_542, %mul3A_543 : i32
      %add3A_545 = vector.broadcast %mul3A_544 : i32 to vector<16xi32>
      %add3A_546 = arith.addi %add3A_9, %add3A_545 : vector<16xi32>
      %add3A_547 = arith.addi %get3A_540, %add3A_546 : vector<16xi32>
      %swap3A_548 = arith.index_cast %add3A_538 : i32 to index
      %swap3A_549 = tpu.vector_load %arg8[%swap3A_548] {strides = array<i32>} : memref<2048xi32, #tpu.memory_space<vmem>>, vector<16xi32>,
      tpu.vector_store %arg8[%swap3A_548], %add3A_547 {strides = array<i32>} : memref<2048xi32, #tpu.memory_space<vmem>>, vector<16xi32>,
      %gather3A_550 = tpu.vector_load_idx %arg7[%get3A_540] : memref<128xf32, #tpu.memory_space<vmem>>[vector<16xi32>], vector<16xf32>,
      %swap3A_551 = arith.index_cast %add3A_538 : i32 to index
      %swap3A_552 = tpu.vector_load %arg10[%swap3A_551] {strides = array<i32>} : memref<2048xf32, #tpu.memory_space<vmem>>, vector<16xf32>,
      tpu.vector_store %arg10[%swap3A_551], %gather3A_550 {strides = array<i32>} : memref<2048xf32, #tpu.memory_space<vmem>>, vector<16xf32>,
      %add3A_553 = arith.constant 112 : i32
      %add3A_554 = arith.addi %mul3A_440, %add3A_553 : i32
      %get3A_555 = arith.index_cast %add3A_554 : i32 to index
      %get3A_556 = tpu.vector_load %arg6[%get3A_555] {strides = array<i32>} : memref<2048xi32, #tpu.memory_space<vmem>>, vector<16xi32>,
      %add3A_557 = arith.constant 112 : i32
      %add3A_558 = arith.addi %mul3A_440, %add3A_557 : i32
      %mul3A_559 = arith.constant 128 : i32
      %mul3A_560 = arith.muli %add3A_558, %mul3A_559 : i32
      %add3A_561 = vector.broadcast %mul3A_560 : i32 to vector<16xi32>
      %add3A_562 = arith.addi %add3A_9, %add3A_561 : vector<16xi32>
      %add3A_563 = arith.addi %get3A_556, %add3A_562 : vector<16xi32>
      %swap3A_564 = arith.index_cast %add3A_554 : i32 to index
      %swap3A_565 = tpu.vector_load %arg8[%swap3A_564] {strides = array<i32>} : memref<2048xi32, #tpu.memory_space<vmem>>, vector<16xi32>,
      tpu.vector_store %arg8[%swap3A_564], %add3A_563 {strides = array<i32>} : memref<2048xi32, #tpu.memory_space<vmem>>, vector<16xi32>,
      %gather3A_566 = tpu.vector_load_idx %arg7[%get3A_556] : memref<128xf32, #tpu.memory_space<vmem>>[vector<16xi32>], vector<16xf32>,
      %swap3A_567 = arith.index_cast %add3A_554 : i32 to index
      %swap3A_568 = tpu.vector_load %arg10[%swap3A_567] {strides = array<i32>} : memref<2048xf32, #tpu.memory_space<vmem>>, vector<16xf32>,
      tpu.vector_store %arg10[%swap3A_567], %gather3A_566 {strides = array<i32>} : memref<2048xf32, #tpu.memory_space<vmem>>, vector<16xf32>,
      %dma_start3A_569 = tpu.memref_slice %arg9[%mul3A_440] : memref<2048xf32, #tpu.memory_space<vmem>> -> memref<128xf32, #tpu.memory_space<vmem>>
      %dma_start3A_570 = tpu.memref_slice %arg8[%mul3A_440] : memref<2048xi32, #tpu.memory_space<vmem>> -> memref<128xi32, #tpu.memory_space<vmem>>
      %dma_start3A_571 = arith.constant 0 : i32
      %dma_start3A_572 = tpu.memref_slice %arg2[%dma_start3A_571] : memref<8388608xf32, #tpu.memory_space<hbm>> -> memref<8388608xf32, #tpu.memory_space<hbm>>
      %dma_start3A_573 = tpu.memref_slice %arg12[%scan3A_438] : memref<16x!tpu.dma_semaphore, #tpu.memory_space<semaphore_mem>> -> memref<1x!tpu.dma_semaphore, #tpu.memory_space<semaphore_mem>>
      %dma_start3A_574 = tpu.memref_squeeze %dma_start3A_573 : memref<1x!tpu.dma_semaphore, #tpu.memory_space<semaphore_mem>> -> memref<!tpu.dma_semaphore, #tpu.memory_space<semaphore_mem>>
      tpu.enqueue_indirect_dma source(%dma_start3A_572 : memref<8388608xf32, #tpu.memory_space<hbm>>) target(%dma_start3A_569 : memref<128xf32, #tpu.memory_space<vmem>>) offsets(%dma_start3A_570 : memref<128xi32, #tpu.memory_space<vmem>>) semaphore(%dma_start3A_574 : memref<!tpu.dma_semaphore, #tpu.memory_space<semaphore_mem>>)
    }
    %scan3A_14 = arith.constant 16 : i32
    %broadcast_in_dim3A = arith.constant 0.000000e+00 : f32
    %broadcast_in_dim3A_15 = vector.broadcast %broadcast_in_dim3A : f32 to vector<16xf32>
    %scan3A_16 = arith.constant 0 : i32
    %scan3A_17 = arith.constant 16 : i32
    %scan3A_18 = arith.addi %scan3A_16, %scan3A_17 : i32
    %scan3A_19 = arith.constant 2 : i32
    %scan3A_20 = scf.for %scan3A_27 = %scan3A_16 to %scan3A_18 step %scan3A_19 iter_args(%scan3A_28 = %broadcast_in_dim3A_15) -> (vector<16xf32>)  : i32 {
      %mul3A_29 = arith.constant 128 : i32
      %mul3A_30 = arith.muli %scan3A_27, %mul3A_29 : i32
      %dma_wait3A = tpu.memref_slice %arg9[%mul3A_30] : memref<2048xf32, #tpu.memory_space<vmem>> -> memref<128xf32, #tpu.memory_space<vmem>>
      %dma_wait3A_31 = arith.constant 0 : i32
      %dma_wait3A_32 = tpu.memref_slice %arg2[%dma_wait3A_31] : memref<8388608xf32, #tpu.memory_space<hbm>> -> memref<128xf32, #tpu.memory_space<hbm>>
      %dma_wait3A_33 = tpu.memref_slice %arg12[%scan3A_27] : memref<16x!tpu.dma_semaphore, #tpu.memory_space<semaphore_mem>> -> memref<1x!tpu.dma_semaphore, #tpu.memory_space<semaphore_mem>>
      %dma_wait3A_34 = tpu.memref_squeeze %dma_wait3A_33 : memref<1x!tpu.dma_semaphore, #tpu.memory_space<semaphore_mem>> -> memref<!tpu.dma_semaphore, #tpu.memory_space<semaphore_mem>>
      %dma_wait3A_35 = tpu.memref_slice %arg9[%mul3A_30] : memref<2048xf32, #tpu.memory_space<vmem>> -> memref<128xf32, #tpu.memory_space<vmem>>
      %dma_wait3A_36 = arith.constant 0 : i32
      %dma_wait3A_37 = tpu.memref_slice %arg2[%dma_wait3A_36] : memref<8388608xf32, #tpu.memory_space<hbm>> -> memref<128xf32, #tpu.memory_space<hbm>>
      tpu.wait_dma2 semaphore(%dma_wait3A_34 : memref<!tpu.dma_semaphore, #tpu.memory_space<semaphore_mem>>) src(%dma_wait3A_37 : memref<128xf32, #tpu.memory_space<hbm>>) dst(%dma_wait3A_35 : memref<128xf32, #tpu.memory_space<vmem>>)
      %add3A_38 = arith.constant 0 : i32
      %add3A_39 = arith.addi %mul3A_30, %add3A_38 : i32
      %get3A = arith.index_cast %add3A_39 : i32 to index
      %get3A_40 = tpu.vector_load %arg9[%get3A] {strides = array<i32>} : memref<2048xf32, #tpu.memory_space<vmem>>, vector<16xf32>,
      %get3A_41 = arith.index_cast %add3A_39 : i32 to index
      %get3A_42 = tpu.vector_load %arg10[%get3A_41] {strides = array<i32>} : memref<2048xf32, #tpu.memory_space<vmem>>, vector<16xf32>,
      %mul3A_43 = arith.mulf %get3A_40, %get3A_42 : vector<16xf32>
      %add3A_44 = arith.addf %scan3A_28, %mul3A_43 : vector<16xf32>
      %add3A_45 = arith.constant 16 : i32
      %add3A_46 = arith.addi %mul3A_30, %add3A_45 : i32
      %get3A_47 = arith.index_cast %add3A_46 : i32 to index
      %get3A_48 = tpu.vector_load %arg9[%get3A_47] {strides = array<i32>} : memref<2048xf32, #tpu.memory_space<vmem>>, vector<16xf32>,
      %get3A_49 = arith.index_cast %add3A_46 : i32 to index
      %get3A_50 = tpu.vector_load %arg10[%get3A_49] {strides = array<i32>} : memref<2048xf32, #tpu.memory_space<vmem>>, vector<16xf32>,
      %mul3A_51 = arith.mulf %get3A_48, %get3A_50 : vector<16xf32>
      %add3A_52 = arith.addf %add3A_44, %mul3A_51 : vector<16xf32>
      %add3A_53 = arith.constant 32 : i32
      %add3A_54 = arith.addi %mul3A_30, %add3A_53 : i32
      %get3A_55 = arith.index_cast %add3A_54 : i32 to index
      %get3A_56 = tpu.vector_load %arg9[%get3A_55] {strides = array<i32>} : memref<2048xf32, #tpu.memory_space<vmem>>, vector<16xf32>,
      %get3A_57 = arith.index_cast %add3A_54 : i32 to index
      %get3A_58 = tpu.vector_load %arg10[%get3A_57] {strides = array<i32>} : memref<2048xf32, #tpu.memory_space<vmem>>, vector<16xf32>,
      %mul3A_59 = arith.mulf %get3A_56, %get3A_58 : vector<16xf32>
      %add3A_60 = arith.addf %add3A_52, %mul3A_59 : vector<16xf32>
      %add3A_61 = arith.constant 48 : i32
      %add3A_62 = arith.addi %mul3A_30, %add3A_61 : i32
      %get3A_63 = arith.index_cast %add3A_62 : i32 to index
      %get3A_64 = tpu.vector_load %arg9[%get3A_63] {strides = array<i32>} : memref<2048xf32, #tpu.memory_space<vmem>>, vector<16xf32>,
      %get3A_65 = arith.index_cast %add3A_62 : i32 to index
      %get3A_66 = tpu.vector_load %arg10[%get3A_65] {strides = array<i32>} : memref<2048xf32, #tpu.memory_space<vmem>>, vector<16xf32>,
      %mul3A_67 = arith.mulf %get3A_64, %get3A_66 : vector<16xf32>
      %add3A_68 = arith.addf %add3A_60, %mul3A_67 : vector<16xf32>
      %add3A_69 = arith.constant 64 : i32
      %add3A_70 = arith.addi %mul3A_30, %add3A_69 : i32
      %get3A_71 = arith.index_cast %add3A_70 : i32 to index
      %get3A_72 = tpu.vector_load %arg9[%get3A_71] {strides = array<i32>} : memref<2048xf32, #tpu.memory_space<vmem>>, vector<16xf32>,
      %get3A_73 = arith.index_cast %add3A_70 : i32 to index
      %get3A_74 = tpu.vector_load %arg10[%get3A_73] {strides = array<i32>} : memref<2048xf32, #tpu.memory_space<vmem>>, vector<16xf32>,
      %mul3A_75 = arith.mulf %get3A_72, %get3A_74 : vector<16xf32>
      %add3A_76 = arith.addf %add3A_68, %mul3A_75 : vector<16xf32>
      %add3A_77 = arith.constant 80 : i32
      %add3A_78 = arith.addi %mul3A_30, %add3A_77 : i32
      %get3A_79 = arith.index_cast %add3A_78 : i32 to index
      %get3A_80 = tpu.vector_load %arg9[%get3A_79] {strides = array<i32>} : memref<2048xf32, #tpu.memory_space<vmem>>, vector<16xf32>,
      %get3A_81 = arith.index_cast %add3A_78 : i32 to index
      %get3A_82 = tpu.vector_load %arg10[%get3A_81] {strides = array<i32>} : memref<2048xf32, #tpu.memory_space<vmem>>, vector<16xf32>,
      %mul3A_83 = arith.mulf %get3A_80, %get3A_82 : vector<16xf32>
      %add3A_84 = arith.addf %add3A_76, %mul3A_83 : vector<16xf32>
      %add3A_85 = arith.constant 96 : i32
      %add3A_86 = arith.addi %mul3A_30, %add3A_85 : i32
      %get3A_87 = arith.index_cast %add3A_86 : i32 to index
      %get3A_88 = tpu.vector_load %arg9[%get3A_87] {strides = array<i32>} : memref<2048xf32, #tpu.memory_space<vmem>>, vector<16xf32>,
      %get3A_89 = arith.index_cast %add3A_86 : i32 to index
      %get3A_90 = tpu.vector_load %arg10[%get3A_89] {strides = array<i32>} : memref<2048xf32, #tpu.memory_space<vmem>>, vector<16xf32>,
      %mul3A_91 = arith.mulf %get3A_88, %get3A_90 : vector<16xf32>
      %add3A_92 = arith.addf %add3A_84, %mul3A_91 : vector<16xf32>
      %add3A_93 = arith.constant 112 : i32
      %add3A_94 = arith.addi %mul3A_30, %add3A_93 : i32
      %get3A_95 = arith.index_cast %add3A_94 : i32 to index
      %get3A_96 = tpu.vector_load %arg9[%get3A_95] {strides = array<i32>} : memref<2048xf32, #tpu.memory_space<vmem>>, vector<16xf32>,
      %get3A_97 = arith.index_cast %add3A_94 : i32 to index
      %get3A_98 = tpu.vector_load %arg10[%get3A_97] {strides = array<i32>} : memref<2048xf32, #tpu.memory_space<vmem>>, vector<16xf32>,
      %mul3A_99 = arith.mulf %get3A_96, %get3A_98 : vector<16xf32>
      %add3A_100 = arith.addf %add3A_92, %mul3A_99 : vector<16xf32>
      %scan3A_101 = arith.constant 1 : i32
      %scan3A_102 = arith.addi %scan3A_27, %scan3A_101 : i32
      %mul3A_103 = arith.constant 128 : i32
      %mul3A_104 = arith.muli %scan3A_102, %mul3A_103 : i32
      %dma_wait3A_105 = tpu.memref_slice %arg9[%mul3A_104] : memref<2048xf32, #tpu.memory_space<vmem>> -> memref<128xf32, #tpu.memory_space<vmem>>
      %dma_wait3A_106 = arith.constant 0 : i32
      %dma_wait3A_107 = tpu.memref_slice %arg2[%dma_wait3A_106] : memref<8388608xf32, #tpu.memory_space<hbm>> -> memref<128xf32, #tpu.memory_space<hbm>>
      %dma_wait3A_108 = tpu.memref_slice %arg12[%scan3A_102] : memref<16x!tpu.dma_semaphore, #tpu.memory_space<semaphore_mem>> -> memref<1x!tpu.dma_semaphore, #tpu.memory_space<semaphore_mem>>
      %dma_wait3A_109 = tpu.memref_squeeze %dma_wait3A_108 : memref<1x!tpu.dma_semaphore, #tpu.memory_space<semaphore_mem>> -> memref<!tpu.dma_semaphore, #tpu.memory_space<semaphore_mem>>
      %dma_wait3A_110 = tpu.memref_slice %arg9[%mul3A_104] : memref<2048xf32, #tpu.memory_space<vmem>> -> memref<128xf32, #tpu.memory_space<vmem>>
      %dma_wait3A_111 = arith.constant 0 : i32
      %dma_wait3A_112 = tpu.memref_slice %arg2[%dma_wait3A_111] : memref<8388608xf32, #tpu.memory_space<hbm>> -> memref<128xf32, #tpu.memory_space<hbm>>
      tpu.wait_dma2 semaphore(%dma_wait3A_109 : memref<!tpu.dma_semaphore, #tpu.memory_space<semaphore_mem>>) src(%dma_wait3A_112 : memref<128xf32, #tpu.memory_space<hbm>>) dst(%dma_wait3A_110 : memref<128xf32, #tpu.memory_space<vmem>>)
      %add3A_113 = arith.constant 0 : i32
      %add3A_114 = arith.addi %mul3A_104, %add3A_113 : i32
      %get3A_115 = arith.index_cast %add3A_114 : i32 to index
      %get3A_116 = tpu.vector_load %arg9[%get3A_115] {strides = array<i32>} : memref<2048xf32, #tpu.memory_space<vmem>>, vector<16xf32>,
      %get3A_117 = arith.index_cast %add3A_114 : i32 to index
      %get3A_118 = tpu.vector_load %arg10[%get3A_117] {strides = array<i32>} : memref<2048xf32, #tpu.memory_space<vmem>>, vector<16xf32>,
      %mul3A_119 = arith.mulf %get3A_116, %get3A_118 : vector<16xf32>
      %add3A_120 = arith.addf %add3A_100, %mul3A_119 : vector<16xf32>
      %add3A_121 = arith.constant 16 : i32
      %add3A_122 = arith.addi %mul3A_104, %add3A_121 : i32
      %get3A_123 = arith.index_cast %add3A_122 : i32 to index
      %get3A_124 = tpu.vector_load %arg9[%get3A_123] {strides = array<i32>} : memref<2048xf32, #tpu.memory_space<vmem>>, vector<16xf32>,
      %get3A_125 = arith.index_cast %add3A_122 : i32 to index
      %get3A_126 = tpu.vector_load %arg10[%get3A_125] {strides = array<i32>} : memref<2048xf32, #tpu.memory_space<vmem>>, vector<16xf32>,
      %mul3A_127 = arith.mulf %get3A_124, %get3A_126 : vector<16xf32>
      %add3A_128 = arith.addf %add3A_120, %mul3A_127 : vector<16xf32>
      %add3A_129 = arith.constant 32 : i32
      %add3A_130 = arith.addi %mul3A_104, %add3A_129 : i32
      %get3A_131 = arith.index_cast %add3A_130 : i32 to index
      %get3A_132 = tpu.vector_load %arg9[%get3A_131] {strides = array<i32>} : memref<2048xf32, #tpu.memory_space<vmem>>, vector<16xf32>,
      %get3A_133 = arith.index_cast %add3A_130 : i32 to index
      %get3A_134 = tpu.vector_load %arg10[%get3A_133] {strides = array<i32>} : memref<2048xf32, #tpu.memory_space<vmem>>, vector<16xf32>,
      %mul3A_135 = arith.mulf %get3A_132, %get3A_134 : vector<16xf32>
      %add3A_136 = arith.addf %add3A_128, %mul3A_135 : vector<16xf32>
      %add3A_137 = arith.constant 48 : i32
      %add3A_138 = arith.addi %mul3A_104, %add3A_137 : i32
      %get3A_139 = arith.index_cast %add3A_138 : i32 to index
      %get3A_140 = tpu.vector_load %arg9[%get3A_139] {strides = array<i32>} : memref<2048xf32, #tpu.memory_space<vmem>>, vector<16xf32>,
      %get3A_141 = arith.index_cast %add3A_138 : i32 to index
      %get3A_142 = tpu.vector_load %arg10[%get3A_141] {strides = array<i32>} : memref<2048xf32, #tpu.memory_space<vmem>>, vector<16xf32>,
      %mul3A_143 = arith.mulf %get3A_140, %get3A_142 : vector<16xf32>
      %add3A_144 = arith.addf %add3A_136, %mul3A_143 : vector<16xf32>
      %add3A_145 = arith.constant 64 : i32
      %add3A_146 = arith.addi %mul3A_104, %add3A_145 : i32
      %get3A_147 = arith.index_cast %add3A_146 : i32 to index
      %get3A_148 = tpu.vector_load %arg9[%get3A_147] {strides = array<i32>} : memref<2048xf32, #tpu.memory_space<vmem>>, vector<16xf32>,
      %get3A_149 = arith.index_cast %add3A_146 : i32 to index
      %get3A_150 = tpu.vector_load %arg10[%get3A_149] {strides = array<i32>} : memref<2048xf32, #tpu.memory_space<vmem>>, vector<16xf32>,
      %mul3A_151 = arith.mulf %get3A_148, %get3A_150 : vector<16xf32>
      %add3A_152 = arith.addf %add3A_144, %mul3A_151 : vector<16xf32>
      %add3A_153 = arith.constant 80 : i32
      %add3A_154 = arith.addi %mul3A_104, %add3A_153 : i32
      %get3A_155 = arith.index_cast %add3A_154 : i32 to index
      %get3A_156 = tpu.vector_load %arg9[%get3A_155] {strides = array<i32>} : memref<2048xf32, #tpu.memory_space<vmem>>, vector<16xf32>,
      %get3A_157 = arith.index_cast %add3A_154 : i32 to index
      %get3A_158 = tpu.vector_load %arg10[%get3A_157] {strides = array<i32>} : memref<2048xf32, #tpu.memory_space<vmem>>, vector<16xf32>,
      %mul3A_159 = arith.mulf %get3A_156, %get3A_158 : vector<16xf32>
      %add3A_160 = arith.addf %add3A_152, %mul3A_159 : vector<16xf32>
      %add3A_161 = arith.constant 96 : i32
      %add3A_162 = arith.addi %mul3A_104, %add3A_161 : i32
      %get3A_163 = arith.index_cast %add3A_162 : i32 to index
      %get3A_164 = tpu.vector_load %arg9[%get3A_163] {strides = array<i32>} : memref<2048xf32, #tpu.memory_space<vmem>>, vector<16xf32>,
      %get3A_165 = arith.index_cast %add3A_162 : i32 to index
      %get3A_166 = tpu.vector_load %arg10[%get3A_165] {strides = array<i32>} : memref<2048xf32, #tpu.memory_space<vmem>>, vector<16xf32>,
      %mul3A_167 = arith.mulf %get3A_164, %get3A_166 : vector<16xf32>
      %add3A_168 = arith.addf %add3A_160, %mul3A_167 : vector<16xf32>
      %add3A_169 = arith.constant 112 : i32
      %add3A_170 = arith.addi %mul3A_104, %add3A_169 : i32
      %get3A_171 = arith.index_cast %add3A_170 : i32 to index
      %get3A_172 = tpu.vector_load %arg9[%get3A_171] {strides = array<i32>} : memref<2048xf32, #tpu.memory_space<vmem>>, vector<16xf32>,
      %get3A_173 = arith.index_cast %add3A_170 : i32 to index
      %get3A_174 = tpu.vector_load %arg10[%get3A_173] {strides = array<i32>} : memref<2048xf32, #tpu.memory_space<vmem>>, vector<16xf32>,
      %mul3A_175 = arith.mulf %get3A_172, %get3A_174 : vector<16xf32>
      %add3A_176 = arith.addf %add3A_168, %mul3A_175 : vector<16xf32>
      scf.yield %add3A_176 : vector<16xf32>
    }
    %scan3A_21 = arith.constant 16 : i32
    %reduce_sum3A = arith.constant true
    %reduce_sum3A_22 = vector.broadcast %reduce_sum3A : i1 to vector<16xi1>
    %reduce_sum3A_23 = tpu.scan <sum>, %scan3A_20 masked %reduce_sum3A_22 : vector<16xf32>, vector<16xi1> -> vector<16xf32>
    %reduce_sum3A_24 = vector.extract %reduce_sum3A_23[15] : f32 from vector<16xf32>
    %broadcast_in_dim3A_25 = vector.broadcast %reduce_sum3A_24 : f32 to vector<16xf32>
    %swap3A = arith.constant 0 : index
    %swap3A_26 = tpu.vector_load %arg11[%swap3A] {strides = array<i32>} : memref<16xf32, #tpu.memory_space<vmem>>, vector<16xf32>,
    tpu.vector_store %arg11[%swap3A], %broadcast_in_dim3A_25 {strides = array<i32>} : memref<16xf32, #tpu.memory_space<vmem>>, vector<16xf32>,
    "tpu.region"() ({
      %run_scoped3A = tpu.sem_alloc : memref<!tpu.dma_semaphore, #tpu.memory_space<semaphore_mem>>
      %dma_start3A = arith.constant 0 : i32
      %dma_start3A_27 = tpu.memref_slice %arg5[%add3A, %dma_start3A] : memref<32x16xf32, #tpu.memory_space<hbm>> -> memref<1x16xf32, #tpu.memory_space<hbm>>
      %dma_start3A_28 = tpu.memref_squeeze %dma_start3A_27 : memref<1x16xf32, #tpu.memory_space<hbm>> -> memref<16xf32, #tpu.memory_space<hbm>>
      %dma_start3A_29 = arith.constant 0 : i32
      %dma_start3A_30 = tpu.memref_slice %arg5[%add3A, %dma_start3A_29] : memref<32x16xf32, #tpu.memory_space<hbm>> -> memref<1x16xf32, #tpu.memory_space<hbm>>
      %dma_start3A_31 = tpu.memref_squeeze %dma_start3A_30 : memref<1x16xf32, #tpu.memory_space<hbm>> -> memref<16xf32, #tpu.memory_space<hbm>>
      tpu.enqueue_dma source(%arg11 : memref<16xf32, #tpu.memory_space<vmem>>) target(%dma_start3A_31 : memref<16xf32, #tpu.memory_space<hbm>>) target_semaphore(%run_scoped3A : memref<!tpu.dma_semaphore, #tpu.memory_space<semaphore_mem>>)
      %dma_wait3A = arith.constant 0 : i32
      %dma_wait3A_32 = tpu.memref_slice %arg5[%add3A, %dma_wait3A] : memref<32x16xf32, #tpu.memory_space<hbm>> -> memref<1x16xf32, #tpu.memory_space<hbm>>
      %dma_wait3A_33 = tpu.memref_squeeze %dma_wait3A_32 : memref<1x16xf32, #tpu.memory_space<hbm>> -> memref<16xf32, #tpu.memory_space<hbm>>
      %dma_wait3A_34 = arith.constant 0 : i32
      %dma_wait3A_35 = tpu.memref_slice %arg5[%add3A, %dma_wait3A_34] : memref<32x16xf32, #tpu.memory_space<hbm>> -> memref<1x16xf32, #tpu.memory_space<hbm>>
      %dma_wait3A_36 = tpu.memref_squeeze %dma_wait3A_35 : memref<1x16xf32, #tpu.memory_space<hbm>> -> memref<16xf32, #tpu.memory_space<hbm>>
      tpu.wait_dma2 semaphore(%run_scoped3A : memref<!tpu.dma_semaphore, #tpu.memory_space<semaphore_mem>>) src(%arg11 : memref<16xf32, #tpu.memory_space<vmem>>) dst(%dma_wait3A_36 : memref<16xf32, #tpu.memory_space<hbm>>)
      tpu.yield
    }) : () -> ()
    return
  }
}

</mosaic_0001>

<sc_bundles>
// kernel: kernel.3.cloned.1.call-start
scs
__scs_entry_jumppad:
0x0: {  	(pc) =	sbr.rel $0x88, $3  }
0x1: {  	(tag) =	ssettag $0x0;
	lr =	simm.s32 $0x1  }
0x2: {  	[smem:$0x3F9E] =	sst lr;
	_ =	strace $0xD0000000  }
0x3: {  	_ = 	snop  }
0x4: {  	_ = 	snop  }
0x5: {  	_ = 	snop  }
0x6: {  	_ = 	snop  }
0x7: {  	_ = 	snop  }
__scs_overlays_trampoline_lowered:
0x8: {  	[smem:$0x3FAD] =	sst s0  }
0x9: {  	[smem:$0x3FAE] =	sst s1  }
0xa: {  	[smem:$0x3FAF] =	sst s2  }
0xb: {  	[smem:$0x3FB0] =	sst s3  }
0xc: {  	[smem:$0x3FB1] =	sst s4  }
0xd: {  	[smem:$0x3FB2] =	sst s5  }
0xe: {  	[smem:$0x3FB3] =	sst s6  }
0xf: {  	[smem:$0x3FB4] =	sst s7  }
0x10: {  	[smem:$0x3FB5] =	sst s8  }
0x11: {  	[smem:$0x3FB6] =	sst s9;
	s0 =	simm.s32 @!p0 $0x0  }
0x12: {  	s1 =	sld [smem:$0x3F9C];
	s0 =	simm.s32 @p0 $0x1  }
0x13: {  	[smem:$0x3FB7] =	sst s0;
	s0 =	simm.s32 @!p1 $0x0  }
0x14: {  	s2 =	sld [smem:$0x3F9B];
	s0 =	simm.s32 @p1 $0x1  }
0x15: {  	[smem:$0x3FB8] =	sst s0;
	s0 =	simm.s32 @!p2 $0x0  }
0x16: {  	s3 =	sld [smem:$0x3FDB];
	s0 =	simm.s32 @p2 $0x1  }
0x17: {  	s4 =	simm.s32 $0x1BF5;
	[smem:$0x3FBA] =	sst s0  }
0x18: {  	s0 =	sld [smem:$0x3F9D];
	_ =	swait.ge [sflag:s4], $0x0  }
0x19: {  	s7 =	sld [smem:$0x3F9E]  }
0x1a: {  	s8 =	sadd.s32 $0xFFFFE003, lr  }
0x1b: {  	s9 =	sadd.s32 $0xFFFFFEF7, lr;
	s5 =	simm.s32 $0xFFFFFFFF;
	p2 =	slt.u32 s8, $0xFFFFF086  }
0x1c: {  	p1 =	slt.u32 s9, $0xF7A;
	s5 =	simm.s32 @!p2 $0x0  }
0x1d: {  	s5 =	simm.s32 @p1 $0x1;
	p0 =	seq.s32 s7, s2  }
0x1e: {  	s7 =	smul.u32 @!p0 $0xF7A, s2;
	p2 =	seq.s32 @!p0 s5, $0x0  }
0x1f: {  	s9 =	smul.u32 $0xF7A, s1;
	s8 =	simm.s32 @!p0 $0x1BF5;
	p2 =	por !p2, p0  }
0x20: {  	[sflag:s8] =	ssyncset.s32 @!p0 $0xFFFFF086;
	s6 =	sadd.s32 @!p0 s3, s7;
	s7 =	simm.s32 @!p0 $0x108  }
0x21: {  	s3 =	sadd.s32 s3, s9;
	s6 =	sadd.s32 @!p0 $0x88, s6;
	s7 =	simm.s32 @p2 $0x1082  }
0x22: {  	[simem:s7], [sflag:s8] =	dma.local @!p0 [hbm:s6], $0xF7A  }
0x23: {  	s9 =	sor.u32 $0xD0000000, s2;
	s6 =	simm.s32 $0x108;
	_ =	swait.ge @!p0 [sflag:s8], $0x0  }
0x24: {  	s3 =	sadd.s32 $0x88, s3;
	s6 =	simm.s32 @!p1 $0x1082;
	[sflag:s4] =	ssyncset.s32 $0xFFFFF086  }
0x25: {  	[simem:s6], [sflag:s4] =	dma.local [hbm:s3], $0xF7A  }
0x26: {  	[smem:$0x3F9E] =	sst s1;
	(tag) =	ssettag s2;
	_ =	strace s9  }
0x27: {  	s1 =	sld [smem:$0x3FAE]  }
0x28: {  	s2 =	sld [smem:$0x3FAF]  }
0x29: {  	s4 =	sld [smem:$0x3FB1]  }
0x2a: {  	p0 =	seq.s32 s5, $0x0;
	s5 =	sld [smem:$0x3FB2]  }
0x2b: {  	s6 =	sld [smem:$0x3FB3]  }
0x2c: {  	s7 =	sld [smem:$0x3FB4]  }
0x2d: {  	s3 =	simm.s32 $0x108;
	s8 =	sld [smem:$0x3FB5]  }
0x2e: {  	s3 =	simm.s32 @!p0 $0x1082;
	s9 =	sld [smem:$0x3FB6]  }
0x2f: {  	lr =	sadd.s32 s0, s3;
	s0 =	sld [smem:$0x3FAD]  }
0x30: {  	s3 =	sld [smem:$0x3FB0]  }
0x31: {  	[smem:$0x3FB9] =	sst s10  }
0x32: {  	s10 =	sld [smem:$0x3FB7];
	_ =	sdelay $0x3  }
0x33: {  	p0 =	seq.s32 s10, $0x1;
	s10 =	sld [smem:$0x3FB9];
	_ =	sdelay $0x3  }
0x34: {  	[smem:$0x3FB9] =	sst s10  }
0x35: {  	s10 =	sld [smem:$0x3FB8];
	_ =	sdelay $0x3  }
0x36: {  	p1 =	seq.s32 s10, $0x1;
	s10 =	sld [smem:$0x3FB9];
	_ =	sdelay $0x3  }
0x37: {  	[smem:$0x3FB9] =	sst s10  }
0x38: {  	s10 =	sld [smem:$0x3FBA]  }
0x39: {  	_ = 	snop;
	(pc) =	sbr.ind lr, $3  }
0x3a: {  	_ = 	snop  }
0x3b: {  	_ = 	snop  }
0x3c: {  	p2 =	seq.s32 s10, $0x1;
	s10 =	sld [smem:$0x3FB9]  }
0x3d: {  	_ =	shalt  }
0x3e: {  	_ =	shalt  }
0x3f: {  	_ =	shalt  }
0x40: {  	_ =	shalt  }
0x41: {  	_ =	shalt  }
0x42: {  	_ =	shalt  }
0x43: {  	_ =	shalt  }
0x44: {  	_ =	shalt  }
0x45: {  	_ =	shalt  }
0x46: {  	_ =	shalt  }
0x47: {  	_ =	shalt  }
0x48: {  	_ =	shalt  }
0x49: {  	_ =	shalt  }
0x4a: {  	_ =	shalt  }
0x4b: {  	_ =	shalt  }
0x4c: {  	_ =	shalt  }
0x4d: {  	_ =	shalt  }
0x4e: {  	_ =	shalt  }
0x4f: {  	_ =	shalt  }
0x50: {  	_ =	shalt  }
0x51: {  	_ =	shalt  }
0x52: {  	_ =	shalt  }
0x53: {  	_ =	shalt  }
0x54: {  	_ =	shalt  }
0x55: {  	_ =	shalt  }
0x56: {  	_ =	shalt  }
0x57: {  	_ =	shalt  }
0x58: {  	_ =	shalt  }
0x59: {  	_ =	shalt  }
0x5a: {  	_ =	shalt  }
0x5b: {  	_ =	shalt  }
0x5c: {  	_ =	shalt  }
0x5d: {  	_ =	shalt  }
0x5e: {  	_ =	shalt  }
0x5f: {  	_ =	shalt  }
0x60: {  	_ =	shalt  }
0x61: {  	_ =	shalt  }
0x62: {  	_ =	shalt  }
0x63: {  	_ =	shalt  }
0x64: {  	_ =	shalt  }
0x65: {  	_ =	shalt  }
0x66: {  	_ =	shalt  }
0x67: {  	_ =	shalt  }
0x68: {  	_ =	shalt  }
0x69: {  	_ =	shalt  }
0x6a: {  	_ =	shalt  }
0x6b: {  	_ =	shalt  }
0x6c: {  	_ =	shalt  }
0x6d: {  	_ =	shalt  }
0x6e: {  	_ =	shalt  }
0x6f: {  	_ =	shalt  }
0x70: {  	_ =	shalt  }
0x71: {  	_ =	shalt  }
0x72: {  	_ =	shalt  }
0x73: {  	_ =	shalt  }
0x74: {  	_ =	shalt  }
0x75: {  	_ =	shalt  }
0x76: {  	_ =	shalt  }
0x77: {  	_ =	shalt  }
0x78: {  	_ =	shalt  }
0x79: {  	_ =	shalt  }
0x7a: {  	_ =	shalt  }
0x7b: {  	_ =	shalt  }
0x7c: {  	_ =	shalt  }
0x7d: {  	_ =	shalt  }
0x7e: {  	_ =	shalt  }
0x7f: {  	_ =	shalt  }
0x80: {  	_ =	shalt  }
0x81: {  	_ =	shalt  }
0x82: {  	_ =	shalt  }
0x83: {  	_ =	shalt  }
0x84: {  	_ =	shalt  }
0x85: {  	_ =	shalt  }
0x86: {  	_ =	shalt  }
0x87: {  	_ =	shalt  }
.Lfunc_end0:
.L_simem_size_0:
called_computation_lowered:
.L_overlay_start_0:
0x88: {  	s2 =	sld [smem:$0x3FD9]  }
0x89: {  	s3 =	sld [smem:$0x3FFE];
	_ =	sdelay $0x1  }
0x8a: {  	s1 =	srdreg.scid  }
0x8b: {  	s0 =	sand.u32 $0x1, s1  }
0x8c: {  	s17 =	sshll.u32 s0, $0xA;
	s2 =	sadd.s32 s3, s2  }
0x8d: {  	s2 =	sadd.s32 s2, s17  }
0x8e: {  	[smem:$0x3FC5] =	sst s2  }
0x8f: {  	_ = 	snop  }
0x90: {  	s2 =	sld [smem:$0x3FC9]  }
0x91: {  	s18 =	sld [smem:$0x3FC8]  }
0x92: {  	s4 =	sld [smem:$0x3FC7];
	(tm) =	ssettm $0x1  }
0x93: {  	s5 =	sld [smem:$0x3FFB];
	_ =	sdelay $0x3  }
0x94: {  	_ =	strace s5  }
0x95: {  	s5 =	sld [smem:$0x3FFC];
	_ =	sdelay $0x3  }
0x96: {  	_ =	strace s5  }
0x97: {  	s5 =	sld [smem:$0x3FFD];
	_ =	sdelay $0x3  }
0x98: {  	_ =	strace s5  }
0x99: {  	_ =	strace $0x8FFFFFFF  }
0x9a: {  	s19 =	sld [smem:$0x3FDB];
	_ =	sdelay $0x1  }
0x9b: {  	s6 =	simm.s32 $_scs_section_size  }
0x9c: {  	s7 =	simm.s32 $_size__tile_overlayer_lowered;
	s8 =	simm.s32 $_tile_overlayer_lowered  }
0x9d: {  	s22 =	simm.s32 $0x1BFF;
	s21 =	sshll.u32 s8, $0x1;
	s5 =	sadd.s32 s6, s19  }
0x9e: {  	s9 =	simm.s32 $0x0;
	s20 =	sshll.u32 s7, $0x1;
	s7 =	sadd.s32 s21, s5  }
0x9f: {  	[timem:s9], [sflag:s22] =	dma.local [hbm:s7], s20  }
0xa0: {  	_ =	swait.ge [sflag:s22], s20  }
0xa1: {  	s6 =	ssub.s32 $0x0, s20;
	[sflag:s22] =	ssyncset.done $0x0  }
0xa2: {  	[sflag:s22] =	ssyncadd.s32 s6;
	_ =	sdelay $0x1  }
0xa3: {  	s23 =	simm.s32 $0x1B8B  }
0xa4: {  	_ =	swait.ge [sflag:s23], $0x1  }
0xa5: {  	[sflag:s23] =	ssyncset.done $0x0  }
0xa6: {  	s25 =	simm.s32 $0x1B8E;
	s24 =	sld [smem:$0x3FFE];
	[sflag:s23] =	ssyncadd.s32 $0xFFFFFFFF  }
0xa7: {  	s26 =	simm.s32 $execute0_lowered;
	[smem:$0x3FD2] =	sst s25  }
0xa8: {  	s7 =	sshll.u32 s26, $0x1;
	_ =	strace $0x80000046;
	[dreg:$0x1] =	wrdreg $0xFFFFFFFF  }
0xa9: {  	s28 =	simm.s32 $_size_execute0_lowered;
	s5 =	sadd.s32 s5, s7;
	[dreg:$0x0] =	wrdreg $0x0  }
0xaa: {  	s7 =	sshll.u32 s28, $0x1;
	[dreg:$0x2] =	wrdreg s5  }
0xab: {  	[dreg:$0x3] =	wrdreg s7  }
0xac: {  	[dreg:$0x4] =	wrdreg $0xC0  }
0xad: {  	_ =	task [dreg:s9], $0x5FFFF  }
0xae: {  	[dreg:$0x1] =	wrdreg $0xFFFFFFFF  }
0xaf: {  	[dreg:$0x0] =	wrdreg $0x60  }
0xb0: {  	[dreg:$0x2] =	wrdreg s2  }
0xb1: {  	[dreg:$0x3] =	wrdreg s18  }
0xb2: {  	[dreg:$0x4] =	wrdreg s4  }
0xb3: {  	[dreg:$0x5] =	wrdreg s24  }
0xb4: {  	[dreg:$0x6] =	wrdreg $0x9  }
0xb5: {  	_ =	task.clear_ibuf [dreg:s9], $0x7FFFF;
	_ =	strace $0x90000046  }
0xb6: {  	s29 =	simm.s32 $0x9;
	_ =	strace $0x80000048  }
0xb7: {  	_ =	swait.ge [sflag:s29], $0x1  }
0xb8: {  	[sflag:s29] =	ssyncadd.s32 $0xFFFFFFFF  }
0xb9: {  	_ =	strace $0x90000048  }
0xba: {  	_ =	sfence  }
0xbb: {  	s30 =	sld [smem:$0x0];
	_ =	sdelay $0x2  }
0xbc: {  	s31 =	sshll.u32 s1, $0xD;
	s1 =	sshrl.u32 s1, $0x2  }
0xbd: {  	s3 =	sand.u32 $0x4000, s31;
	s1 =	sadd.s32 s1, s30  }
0xbe: {  	s0 =	sor.u32 s3, s0;
	s1 =	sshll.u32 s1, $0x11  }
0xbf: {  	s0 =	sor.u32 s1, s0  }
0xc0: {  	s0 =	sadd.s32 $0x8F2B, s0  }
0xc1: {  	[sflag:s0] =	ssyncadd.remote.s32 $0x1  }
0xc2: {  	_ =	sfence.sel $0xFFFF  }
0xc3: {  	[dreg:$0x0] =	wrdreg $0xFFFFFFFF;
	(pc) =	sbr.abs _section_cstart, $3  }
0xc4: {  	[dreg:$0x1] =	wrdreg $0xFFFFFFFF  }
0xc5: {  	_ =	task.clear_ibuf [dreg:s9], $0x2FFFF;
	_ =	strace $0x9FFFFFFF  }
0xc6: {  	(tm) =	ssettm $0x7FFFFFFF  }
0xc7: {  	_ =	shalt  }
tec
execute0_lowered:
.L_overlay_start_1:
0x0: {  	(tag) =	ssettag $0x1  }
0x1: {  	s1 =	rddreg [dreg:$0x0]  }
0x2: {  	s5 =	rddreg [dreg:$0x1]  }
0x3: {  	s2 =	rddreg [dreg:$0x2]  }
0x4: {  	s6 =	rddreg [dreg:$0x3]  }
0x5: {  	s0 =	rddreg [dreg:$0x4];
	s7 =	srdreg.scid  }
0x6: {  	s4 =	simm.s32 $0x0;
	s3 =	stileid.u32;
	s12 =	simm.s32 $0x0  }
0x7: {  	s7 =	sand.u32 $0x1, s7;
	[smem:$0x7FF] =	sst s4;
	s9 =	sshll.u32 s3, $0x1  }
0x8: {  	s8 =	ssub.s32 $0x2, s7;
	_ =	strace $0x80000047;
	s7 =	sor.u32 s7, s9  }
0x9: {  	v0 =	vlaneseq.u32;
	s10 =	sshrl.u32 s8, $0x1;
	s9 =	sshll.u32 s7, $0x8;
	s31 =	sshll.u32 s7, $0x4  }
0xa: {  	v0 =	vmul.u32 $0x80, v0;
	s11 =	sshll.u32 s7, $0x12;
	s8 =	ssub.s32 s8, s10;
	s5 =	sadd.s32 s5, s9  }
0xb: {  	s6 =	sadd.s32 s6, s31;
	s9 =	simm.s32 $0x800;
	s10 =	simm.s32 $0x80  }
0xc: {  	v0 =	vor.u32 s11, v0;
	s11 =	simm.s32 $0x2080;
	s7 =	smax.u32 s8, $0x1;
	s8 =	simm.s32 $0x11  }
.LBB2_1:
0xd: {  	[tilespmem:s4], [sflag:$0x11] =	stream.linear.gather [hbm4b:s5+s4], $0x800, $0x38;
	[tilespmem:$0x2100] =	vst v63  }
0xe: {  	_ =	swait.ge [sflag:s8], $0x800  }
0xf: {  	[sflag:s8] =	ssyncset.done $0x0  }
0x10: {  	[sflag:s8] =	ssyncadd.s32 $0xFFFFF800  }
0x11: {  	[tilespmem:s9], [sflag:$0x11] =	stream.linear.gather [hbm4b:s2+s4], $0x80, $0x38;
	[tilespmem:$0x2100] =	vst v63  }
0x12: {  	_ =	swait.ge [sflag:s8], $0x80  }
0x13: {  	[sflag:s8] =	ssyncset.done $0x0  }
0x14: {  	s21 =	simm.s32 $0x0;
	[sflag:s8] =	ssyncadd.s32 $0xFFFFFF80  }
0x15: {  	v1 =	vld [tilespmem:s21+$0x0];
	_ =	sdelay $0x3  }
0x16: {  	s13 =	simm.s32 $0x0  }
0x17: {  	v2 =	vadd.s32 s13, v0  }
0x18: {  	v3 =	vld [tilespmem:s21+$0x10];
	v2 =	vadd.s32 v1, v2  }
0x19: {  	[tilespmem:s21+$0x880] =	vst v2  }
0x1a: {  	v1 =	vld.idx.msk [tilespmem:v1+s9+$0x0], $0xffff  }
0x1b: {  	s28 =	simm.s32 $0x800  }
0x1c: {  	v2 =	vadd.s32 s28, v0  }
0x1d: {  	v2 =	vadd.s32 v3, v2  }
0x1e: {  	[tilespmem:s21+$0x890] =	vst v2;
	v2 =	vld [tilespmem:s21+$0x20]  }
0x1f: {  	[tilespmem:s21+$0x1880] =	vst v1  }
0x20: {  	v1 =	vld.idx.msk [tilespmem:v3+s9+$0x0], $0xffff  }
0x21: {  	s29 =	simm.s32 $0x1000  }
0x22: {  	v3 =	vadd.s32 s29, v0  }
0x23: {  	v3 =	vadd.s32 v2, v3  }
0x24: {  	[tilespmem:s21+$0x8A0] =	vst v3;
	v3 =	vld [tilespmem:s21+$0x30]  }
0x25: {  	[tilespmem:s21+$0x1890] =	vst v1  }
0x26: {  	v1 =	vld.idx.msk [tilespmem:v2+s9+$0x0], $0xffff  }
0x27: {  	s30 =	simm.s32 $0x1800  }
0x28: {  	v2 =	vadd.s32 s30, v0  }
0x29: {  	v2 =	vadd.s32 v3, v2  }
0x2a: {  	[tilespmem:s21+$0x8B0] =	vst v2;
	v2 =	vld [tilespmem:s21+$0x40]  }
0x2b: {  	[tilespmem:s21+$0x18A0] =	vst v1  }
0x2c: {  	v1 =	vld.idx.msk [tilespmem:v3+s9+$0x0], $0xffff  }
0x2d: {  	s31 =	simm.s32 $0x2000  }
0x2e: {  	v3 =	vadd.s32 s31, v0  }
0x2f: {  	v3 =	vadd.s32 v2, v3  }
0x30: {  	[tilespmem:s21+$0x8C0] =	vst v3;
	v3 =	vld [tilespmem:s21+$0x50]  }
0x31: {  	[tilespmem:s21+$0x18B0] =	vst v1  }
0x32: {  	v1 =	vld.idx.msk [tilespmem:v2+s9+$0x0], $0xffff  }
0x33: {  	s14 =	simm.s32 $0x2800  }
0x34: {  	v2 =	vadd.s32 s14, v0  }
0x35: {  	v2 =	vadd.s32 v3, v2  }
0x36: {  	[tilespmem:s21+$0x8D0] =	vst v2;
	v2 =	vld [tilespmem:s21+$0x60]  }
0x37: {  	[tilespmem:s21+$0x18C0] =	vst v1  }
0x38: {  	v1 =	vld.idx.msk [tilespmem:v3+s9+$0x0], $0xffff  }
0x39: {  	s15 =	simm.s32 $0x3000  }
0x3a: {  	v3 =	vadd.s32 s15, v0  }
0x3b: {  	v3 =	vadd.s32 v2, v3  }
0x3c: {  	[tilespmem:s21+$0x8E0] =	vst v3;
	v3 =	vld [tilespmem:s21+$0x70]  }
0x3d: {  	[tilespmem:s21+$0x18D0] =	vst v1  }
0x3e: {  	v1 =	vld.idx.msk [tilespmem:v2+s9+$0x0], $0xffff  }
0x3f: {  	s16 =	simm.s32 $0x3800  }
0x40: {  	v2 =	vadd.s32 s16, v0  }
0x41: {  	v2 =	vadd.s32 v3, v2  }
0x42: {  	[tilespmem:s21+$0x8F0] =	vst v2  }
0x43: {  	[tilespmem:s21+$0x18E0] =	vst v1  }
0x44: {  	v1 =	vld.idx.msk [tilespmem:v3+s9+$0x0], $0xffff;
	_ =	sdelay $0x4  }
0x45: {  	s17 =	simm.s32 $0x880;
	s14 =	simm.s32 $0x1;
	s15 =	simm.s32 $0x1080;
	[tilespmem:s21+$0x18F0] =	vst v1  }
0x46: {  	[tilespmem:s15], [sflag:s14] =	stream.indirect.gather [hbm4b:s1+s10], $0x1, s17, s10, $0xb8;
	[tilespmem:$0x2100] =	vst v63  }
0x47: {  	v1 =	vld [tilespmem:s21+$0x80];
	_ =	sdelay $0x3  }
0x48: {  	s18 =	simm.s32 $0x4000  }
0x49: {  	v2 =	vadd.s32 s18, v0  }
0x4a: {  	v3 =	vld [tilespmem:s21+$0x90];
	v2 =	vadd.s32 v1, v2  }
0x4b: {  	[tilespmem:s21+$0x900] =	vst v2  }
0x4c: {  	v1 =	vld.idx.msk [tilespmem:v1+s9+$0x0], $0xffff  }
0x4d: {  	s19 =	simm.s32 $0x4800  }
0x4e: {  	v2 =	vadd.s32 s19, v0  }
0x4f: {  	v2 =	vadd.s32 v3, v2  }
0x50: {  	[tilespmem:s21+$0x910] =	vst v2;
	v2 =	vld [tilespmem:s21+$0xA0]  }
0x51: {  	[tilespmem:s21+$0x1900] =	vst v1  }
0x52: {  	v1 =	vld.idx.msk [tilespmem:v3+s9+$0x0], $0xffff  }
0x53: {  	s20 =	simm.s32 $0x5000  }
0x54: {  	v3 =	vadd.s32 s20, v0  }
0x55: {  	v3 =	vadd.s32 v2, v3  }
0x56: {  	[tilespmem:s21+$0x920] =	vst v3;
	v3 =	vld [tilespmem:s21+$0xB0]  }
0x57: {  	[tilespmem:s21+$0x1910] =	vst v1  }
0x58: {  	v1 =	vld.idx.msk [tilespmem:v2+s9+$0x0], $0xffff  }
0x59: {  	s22 =	simm.s32 $0x5800  }
0x5a: {  	v2 =	vadd.s32 s22, v0  }
0x5b: {  	v2 =	vadd.s32 v3, v2  }
0x5c: {  	[tilespmem:s21+$0x930] =	vst v2;
	v2 =	vld [tilespmem:s21+$0xC0]  }
0x5d: {  	[tilespmem:s21+$0x1920] =	vst v1  }
0x5e: {  	v1 =	vld.idx.msk [tilespmem:v3+s9+$0x0], $0xffff  }
0x5f: {  	s23 =	simm.s32 $0x6000  }
0x60: {  	v3 =	vadd.s32 s23, v0  }
0x61: {  	v3 =	vadd.s32 v2, v3  }
0x62: {  	[tilespmem:s21+$0x940] =	vst v3;
	v3 =	vld [tilespmem:s21+$0xD0]  }
0x63: {  	[tilespmem:s21+$0x1930] =	vst v1  }
0x64: {  	v1 =	vld.idx.msk [tilespmem:v2+s9+$0x0], $0xffff  }
0x65: {  	s24 =	simm.s32 $0x6800  }
0x66: {  	v2 =	vadd.s32 s24, v0  }
0x67: {  	v2 =	vadd.s32 v3, v2  }
0x68: {  	[tilespmem:s21+$0x950] =	vst v2;
	v2 =	vld [tilespmem:s21+$0xE0]  }
0x69: {  	[tilespmem:s21+$0x1940] =	vst v1  }
0x6a: {  	v1 =	vld.idx.msk [tilespmem:v3+s9+$0x0], $0xffff  }
0x6b: {  	s25 =	simm.s32 $0x7000  }
0x6c: {  	v3 =	vadd.s32 s25, v0  }
0x6d: {  	v3 =	vadd.s32 v2, v3  }
0x6e: {  	[tilespmem:s21+$0x960] =	vst v3;
	v3 =	vld [tilespmem:s21+$0xF0]  }
0x6f: {  	[tilespmem:s21+$0x1950] =	vst v1  }
0x70: {  	v1 =	vld.idx.msk [tilespmem:v2+s9+$0x0], $0xffff  }
0x71: {  	s26 =	simm.s32 $0x7800  }
0x72: {  	v2 =	vadd.s32 s26, v0  }
0x73: {  	v2 =	vadd.s32 v3, v2  }
0x74: {  	[tilespmem:s21+$0x970] =	vst v2  }
0x75: {  	[tilespmem:s21+$0x1960] =	vst v1  }
0x76: {  	v1 =	vld.idx.msk [tilespmem:v3+s9+$0x0], $0xffff;
	_ =	sdelay $0x4  }
0x77: {  	s28 =	simm.s32 $0x900;
	s16 =	simm.s32 $0x1100;
	s15 =	simm.s32 $0x2;
	[tilespmem:s21+$0x1970] =	vst v1  }
0x78: {  	[tilespmem:s16], [sflag:s15] =	stream.indirect.gather [hbm4b:s1+s10], $0x1, s28, s10, $0xb8;
	[tilespmem:$0x2100] =	vst v63  }
0x79: {  	v1 =	vld [tilespmem:s21+$0x100];
	_ =	sdelay $0x3  }
0x7a: {  	s29 =	simm.s32 $0x8000  }
0x7b: {  	v2 =	vadd.s32 s29, v0  }
0x7c: {  	v3 =	vld [tilespmem:s21+$0x110];
	v2 =	vadd.s32 v1, v2  }
0x7d: {  	[tilespmem:s21+$0x980] =	vst v2  }
0x7e: {  	v1 =	vld.idx.msk [tilespmem:v1+s9+$0x0], $0xffff  }
0x7f: {  	s30 =	simm.s32 $0x8800  }
0x80: {  	v2 =	vadd.s32 s30, v0  }
0x81: {  	v2 =	vadd.s32 v3, v2  }
0x82: {  	[tilespmem:s21+$0x990] =	vst v2;
	v2 =	vld [tilespmem:s21+$0x120]  }
0x83: {  	[tilespmem:s21+$0x1980] =	vst v1  }
0x84: {  	v1 =	vld.idx.msk [tilespmem:v3+s9+$0x0], $0xffff  }
0x85: {  	s31 =	simm.s32 $0x9000  }
0x86: {  	v3 =	vadd.s32 s31, v0  }
0x87: {  	v3 =	vadd.s32 v2, v3  }
0x88: {  	[tilespmem:s21+$0x9A0] =	vst v3;
	v3 =	vld [tilespmem:s21+$0x130]  }
0x89: {  	[tilespmem:s21+$0x1990] =	vst v1  }
0x8a: {  	v1 =	vld.idx.msk [tilespmem:v2+s9+$0x0], $0xffff  }
0x8b: {  	s16 =	simm.s32 $0x9800  }
0x8c: {  	v2 =	vadd.s32 s16, v0  }
0x8d: {  	v2 =	vadd.s32 v3, v2  }
0x8e: {  	[tilespmem:s21+$0x9B0] =	vst v2;
	v2 =	vld [tilespmem:s21+$0x140]  }
0x8f: {  	[tilespmem:s21+$0x19A0] =	vst v1  }
0x90: {  	v1 =	vld.idx.msk [tilespmem:v3+s9+$0x0], $0xffff  }
0x91: {  	s17 =	simm.s32 $0xA000  }
0x92: {  	v3 =	vadd.s32 s17, v0  }
0x93: {  	v3 =	vadd.s32 v2, v3  }
0x94: {  	[tilespmem:s21+$0x9C0] =	vst v3;
	v3 =	vld [tilespmem:s21+$0x150]  }
0x95: {  	[tilespmem:s21+$0x19B0] =	vst v1  }
0x96: {  	v1 =	vld.idx.msk [tilespmem:v2+s9+$0x0], $0xffff  }
0x97: {  	s18 =	simm.s32 $0xA800  }
0x98: {  	v2 =	vadd.s32 s18, v0  }
0x99: {  	v2 =	vadd.s32 v3, v2  }
0x9a: {  	[tilespmem:s21+$0x9D0] =	vst v2;
	v2 =	vld [tilespmem:s21+$0x160]  }
0x9b: {  	[tilespmem:s21+$0x19C0] =	vst v1  }
0x9c: {  	v1 =	vld.idx.msk [tilespmem:v3+s9+$0x0], $0xffff  }
0x9d: {  	s19 =	simm.s32 $0xB000  }
0x9e: {  	v3 =	vadd.s32 s19, v0  }
0x9f: {  	v3 =	vadd.s32 v2, v3  }
0xa0: {  	[tilespmem:s21+$0x9E0] =	vst v3;
	v3 =	vld [tilespmem:s21+$0x170]  }
0xa1: {  	[tilespmem:s21+$0x19D0] =	vst v1  }
0xa2: {  	v1 =	vld.idx.msk [tilespmem:v2+s9+$0x0], $0xffff  }
0xa3: {  	s20 =	simm.s32 $0xB800  }
0xa4: {  	v2 =	vadd.s32 s20, v0  }
0xa5: {  	v2 =	vadd.s32 v3, v2  }
0xa6: {  	[tilespmem:s21+$0x9F0] =	vst v2  }
0xa7: {  	[tilespmem:s21+$0x19E0] =	vst v1  }
0xa8: {  	v1 =	vld.idx.msk [tilespmem:v3+s9+$0x0], $0xffff;
	_ =	sdelay $0x4  }
0xa9: {  	s13 =	simm.s32 $0x3;
	s22 =	simm.s32 $0x980;
	s17 =	simm.s32 $0x1180;
	[tilespmem:s21+$0x19F0] =	vst v1  }
0xaa: {  	[tilespmem:s17], [sflag:s13] =	stream.indirect.gather [hbm4b:s1+s10], $0x1, s22, s10, $0xb8;
	[tilespmem:$0x2100] =	vst v63  }
0xab: {  	v1 =	vld [tilespmem:s21+$0x180];
	_ =	sdelay $0x3  }
0xac: {  	s23 =	simm.s32 $0xC000  }
0xad: {  	v2 =	vadd.s32 s23, v0  }
0xae: {  	v3 =	vld [tilespmem:s21+$0x190];
	v2 =	vadd.s32 v1, v2  }
0xaf: {  	[tilespmem:s21+$0xA00] =	vst v2  }
0xb0: {  	v1 =	vld.idx.msk [tilespmem:v1+s9+$0x0], $0xffff  }
0xb1: {  	s24 =	simm.s32 $0xC800  }
0xb2: {  	v2 =	vadd.s32 s24, v0  }
0xb3: {  	v2 =	vadd.s32 v3, v2  }
0xb4: {  	v4 =	vld [tilespmem:s21+$0x1A0];
	[tilespmem:s21+$0xA10] =	vst v2  }
0xb5: {  	[tilespmem:s21+$0x1A00] =	vst v1  }
0xb6: {  	v1 =	vld.idx.msk [tilespmem:v3+s9+$0x0], $0xffff  }
0xb7: {  	s25 =	simm.s32 $0xD000  }
0xb8: {  	v2 =	vadd.s32 s25, v0  }
0xb9: {  	v2 =	vadd.s32 v4, v2  }
0xba: {  	v3 =	vld [tilespmem:s21+$0x1B0];
	[tilespmem:s21+$0xA20] =	vst v2  }
0xbb: {  	[tilespmem:s21+$0x1A10] =	vst v1  }
0xbc: {  	v1 =	vld.idx.msk [tilespmem:v4+s9+$0x0], $0xffff  }
0xbd: {  	s26 =	simm.s32 $0xD800  }
0xbe: {  	v2 =	vadd.s32 s26, v0  }
0xbf: {  	v2 =	vadd.s32 v3, v2  }
0xc0: {  	v62 =	vld [tilespmem:s21+$0x1C0];
	[tilespmem:s21+$0xA30] =	vst v2  }
0xc1: {  	[tilespmem:s21+$0x1A20] =	vst v1  }
0xc2: {  	v1 =	vld.idx.msk [tilespmem:v3+s9+$0x0], $0xffff  }
0xc3: {  	s28 =	simm.s32 $0xE000  }
0xc4: {  	v2 =	vadd.s32 s28, v0  }
0xc5: {  	v2 =	vadd.s32 v62, v2  }
0xc6: {  	v3 =	vld [tilespmem:s21+$0x1D0];
	[tilespmem:s21+$0xA40] =	vst v2  }
0xc7: {  	[tilespmem:s21+$0x1A30] =	vst v1  }
0xc8: {  	v1 =	vld.idx.msk [tilespmem:v62+s9+$0x0], $0xffff  }
0xc9: {  	s29 =	simm.s32 $0xE800  }
0xca: {  	v2 =	vadd.s32 s29, v0  }
0xcb: {  	v2 =	vadd.s32 v3, v2  }
0xcc: {  	v63 =	vld [tilespmem:s21+$0x1E0];
	[tilespmem:s21+$0xA50] =	vst v2  }
0xcd: {  	[tilespmem:s21+$0x1A40] =	vst v1  }
0xce: {  	v1 =	vld.idx.msk [tilespmem:v3+s9+$0x0], $0xffff  }
0xcf: {  	s30 =	simm.s32 $0xF000  }
0xd0: {  	v2 =	vadd.s32 s30, v0  }
0xd1: {  	v2 =	vadd.s32 v63, v2  }
0xd2: {  	[tilespmem:s21+$0xA60] =	vst v2;
	v2 =	vld [tilespmem:s21+$0x1F0]  }
0xd3: {  	[tilespmem:s21+$0x1A50] =	vst v1  }
0xd4: {  	v1 =	vld.idx.msk [tilespmem:v63+s9+$0x0], $0xffff  }
0xd5: {  	s31 =	simm.s32 $0xF800  }
0xd6: {  	v3 =	vadd.s32 s31, v0  }
0xd7: {  	v3 =	vadd.s32 v2, v3  }
0xd8: {  	[tilespmem:s21+$0xA70] =	vst v3  }
0xd9: {  	[tilespmem:s21+$0x1A60] =	vst v1  }
0xda: {  	v1 =	vld.idx.msk [tilespmem:v2+s9+$0x0], $0xffff;
	_ =	sdelay $0x2  }
0xdb: {  	s16 =	simm.s32 $0x200;
	s18 =	simm.s32 $0x1F800  }
0xdc: {  	s19 =	simm.s32 $0x4;
	s20 =	simm.s32 $0x1000;
	s23 =	simm.s32 $0xA00  }
0xdd: {  	s22 =	simm.s32 $0x4;
	s17 =	simm.s32 $0x5;
	[tilespmem:s21+$0x1A70] =	vst v1;
	s21 =	simm.s32 $0x1200  }
.LBB2_2:
0xde: {  	[tilespmem:s21], [sflag:s22] =	stream.indirect.gather [hbm4b:s1+s10], $0x1, s23, s10, $0xb8;
	v1 =	vimm.f32 $0.0e+00;
	[tilespmem:$0x2100] =	vst v63  }
0xdf: {  	s19 =	sadd.s32 $0x4, s19;
	s21 =	smov.u32 s16;
	v2 =	vld [tilespmem:s16+$0x0];
	s16 =	sshra.s32 s20, $0x2  }
0xe0: {  	p0 =	slt.u32 s19, $0xC;
	_ =	sdelay $0x1  }
0xe1: {  	s22 =	sadd.s32 $0xFFFF0800, s18  }
0xe2: {  	v3 =	vadd.s32 s22, v0  }
0xe3: {  	v3 =	vadd.s32 v2, v3;
	_ =	sdelay $0x1  }
0xe4: {  	[tilespmem:s21+$0x880] =	vst v3;
	v3 =	vld [tilespmem:s21+$0x10]  }
0xe5: {  	v2 =	vld.idx.msk [tilespmem:v2+s9+$0x0], $0xffff;
	_ =	sdelay $0x1  }
0xe6: {  	s22 =	sadd.s32 $0xFFFF1000, s18  }
0xe7: {  	v4 =	vadd.s32 s22, v0  }
0xe8: {  	v4 =	vadd.s32 v3, v4  }
0xe9: {  	[tilespmem:s21+$0x890] =	vst v4  }
0xea: {  	[tilespmem:s21+$0x1880] =	vst v2;
	v2 =	vld [tilespmem:s21+$0x20]  }
0xeb: {  	v3 =	vld.idx.msk [tilespmem:v3+s9+$0x0], $0xffff;
	_ =	sdelay $0x1  }
0xec: {  	s22 =	sadd.s32 $0xFFFF1800, s18  }
0xed: {  	v4 =	vadd.s32 s22, v0  }
0xee: {  	v4 =	vadd.s32 v2, v4  }
0xef: {  	[tilespmem:s21+$0x8A0] =	vst v4  }
0xf0: {  	[tilespmem:s21+$0x1890] =	vst v3;
	v3 =	vld [tilespmem:s21+$0x30]  }
0xf1: {  	v2 =	vld.idx.msk [tilespmem:v2+s9+$0x0], $0xffff;
	_ =	sdelay $0x1  }
0xf2: {  	s22 =	sadd.s32 $0xFFFF2000, s18  }
0xf3: {  	v4 =	vadd.s32 s22, v0  }
0xf4: {  	v4 =	vadd.s32 v3, v4  }
0xf5: {  	[tilespmem:s21+$0x8B0] =	vst v4  }
0xf6: {  	[tilespmem:s21+$0x18A0] =	vst v2;
	v2 =	vld [tilespmem:s21+$0x40]  }
0xf7: {  	v3 =	vld.idx.msk [tilespmem:v3+s9+$0x0], $0xffff;
	_ =	sdelay $0x1  }
0xf8: {  	s22 =	sadd.s32 $0xFFFF2800, s18  }
0xf9: {  	v4 =	vadd.s32 s22, v0  }
0xfa: {  	v4 =	vadd.s32 v2, v4  }
0xfb: {  	[tilespmem:s21+$0x8C0] =	vst v4  }
0xfc: {  	[tilespmem:s21+$0x18B0] =	vst v3;
	v3 =	vld [tilespmem:s21+$0x50]  }
0xfd: {  	v2 =	vld.idx.msk [tilespmem:v2+s9+$0x0], $0xffff;
	_ =	sdelay $0x1  }
0xfe: {  	s22 =	sadd.s32 $0xFFFF3000, s18  }
0xff: {  	v4 =	vadd.s32 s22, v0  }
0x100: {  	v4 =	vadd.s32 v3, v4  }
0x101: {  	[tilespmem:s21+$0x8D0] =	vst v4  }
0x102: {  	[tilespmem:s21+$0x18C0] =	vst v2;
	v2 =	vld [tilespmem:s21+$0x60]  }
0x103: {  	v3 =	vld.idx.msk [tilespmem:v3+s9+$0x0], $0xffff;
	_ =	sdelay $0x1  }
0x104: {  	s22 =	sadd.s32 $0xFFFF3800, s18  }
0x105: {  	v4 =	vadd.s32 s22, v0  }
0x106: {  	v4 =	vadd.s32 v2, v4  }
0x107: {  	[tilespmem:s21+$0x8E0] =	vst v4  }
0x108: {  	[tilespmem:s21+$0x18D0] =	vst v3;
	v3 =	vld [tilespmem:s21+$0x70]  }
0x109: {  	v2 =	vld.idx.msk [tilespmem:v2+s9+$0x0], $0xffff;
	_ =	sdelay $0x1  }
0x10a: {  	s22 =	sadd.s32 $0xFFFF4000, s18  }
0x10b: {  	v4 =	vadd.s32 s22, v0  }
0x10c: {  	v4 =	vadd.s32 v3, v4  }
0x10d: {  	[tilespmem:s21+$0x8F0] =	vst v4  }
0x10e: {  	[tilespmem:s21+$0x18E0] =	vst v2  }
0x10f: {  	v2 =	vld.idx.msk [tilespmem:v3+s9+$0x0], $0xffff;
	_ =	sdelay $0x5  }
0x110: {  	s23 =	sadd.s32 $0x1080, s21;
	s22 =	sadd.s32 $0x880, s21;
	[tilespmem:s21+$0x18F0] =	vst v2  }
0x111: {  	[tilespmem:s23], [sflag:s17] =	stream.indirect.gather [hbm4b:s1+s10], $0x1, s22, s10, $0xb8;
	[tilespmem:$0x2100] =	vst v63  }
0x112: {  	v2 =	vld [tilespmem:s21+$0x80];
	_ =	sdelay $0x2  }
0x113: {  	s22 =	sadd.s32 $0xFFFF4800, s18  }
0x114: {  	v3 =	vadd.s32 s22, v0  }
0x115: {  	v3 =	vadd.s32 v2, v3;
	_ =	sdelay $0x1  }
0x116: {  	[tilespmem:s21+$0x900] =	vst v3;
	v3 =	vld [tilespmem:s21+$0x90]  }
0x117: {  	v2 =	vld.idx.msk [tilespmem:v2+s9+$0x0], $0xffff;
	_ =	sdelay $0x1  }
0x118: {  	s22 =	sadd.s32 $0xFFFF5000, s18  }
0x119: {  	v4 =	vadd.s32 s22, v0  }
0x11a: {  	v4 =	vadd.s32 v3, v4  }
0x11b: {  	[tilespmem:s21+$0x910] =	vst v4  }
0x11c: {  	[tilespmem:s21+$0x1900] =	vst v2;
	v2 =	vld [tilespmem:s21+$0xA0]  }
0x11d: {  	v3 =	vld.idx.msk [tilespmem:v3+s9+$0x0], $0xffff;
	_ =	sdelay $0x1  }
0x11e: {  	s22 =	sadd.s32 $0xFFFF5800, s18  }
0x11f: {  	v4 =	vadd.s32 s22, v0  }
0x120: {  	v4 =	vadd.s32 v2, v4  }
0x121: {  	[tilespmem:s21+$0x920] =	vst v4  }
0x122: {  	[tilespmem:s21+$0x1910] =	vst v3;
	v3 =	vld [tilespmem:s21+$0xB0]  }
0x123: {  	v2 =	vld.idx.msk [tilespmem:v2+s9+$0x0], $0xffff;
	_ =	sdelay $0x1  }
0x124: {  	s22 =	sadd.s32 $0xFFFF6000, s18  }
0x125: {  	v4 =	vadd.s32 s22, v0  }
0x126: {  	v4 =	vadd.s32 v3, v4  }
0x127: {  	[tilespmem:s21+$0x930] =	vst v4  }
0x128: {  	[tilespmem:s21+$0x1920] =	vst v2;
	v2 =	vld [tilespmem:s21+$0xC0]  }
0x129: {  	v3 =	vld.idx.msk [tilespmem:v3+s9+$0x0], $0xffff;
	_ =	sdelay $0x1  }
0x12a: {  	s22 =	sadd.s32 $0xFFFF6800, s18  }
0x12b: {  	v4 =	vadd.s32 s22, v0  }
0x12c: {  	v4 =	vadd.s32 v2, v4  }
0x12d: {  	[tilespmem:s21+$0x940] =	vst v4  }
0x12e: {  	[tilespmem:s21+$0x1930] =	vst v3;
	v3 =	vld [tilespmem:s21+$0xD0]  }
0x12f: {  	v2 =	vld.idx.msk [tilespmem:v2+s9+$0x0], $0xffff;
	_ =	sdelay $0x1  }
0x130: {  	s22 =	sadd.s32 $0xFFFF7000, s18  }
0x131: {  	v4 =	vadd.s32 s22, v0  }
0x132: {  	v4 =	vadd.s32 v3, v4  }
0x133: {  	[tilespmem:s21+$0x950] =	vst v4  }
0x134: {  	[tilespmem:s21+$0x1940] =	vst v2;
	v2 =	vld [tilespmem:s21+$0xE0]  }
0x135: {  	v3 =	vld.idx.msk [tilespmem:v3+s9+$0x0], $0xffff;
	_ =	sdelay $0x1  }
0x136: {  	s22 =	sadd.s32 $0xFFFF7800, s18  }
0x137: {  	v4 =	vadd.s32 s22, v0  }
0x138: {  	v4 =	vadd.s32 v2, v4  }
0x139: {  	[tilespmem:s21+$0x960] =	vst v4  }
0x13a: {  	[tilespmem:s21+$0x1950] =	vst v3;
	v3 =	vld [tilespmem:s21+$0xF0]  }
0x13b: {  	v2 =	vld.idx.msk [tilespmem:v2+s9+$0x0], $0xffff;
	_ =	sdelay $0x1  }
0x13c: {  	s22 =	sadd.s32 $0xFFFF8000, s18  }
0x13d: {  	v4 =	vadd.s32 s22, v0  }
0x13e: {  	v4 =	vadd.s32 v3, v4  }
0x13f: {  	[tilespmem:s21+$0x970] =	vst v4  }
0x140: {  	[tilespmem:s21+$0x1960] =	vst v2  }
0x141: {  	v2 =	vld.idx.msk [tilespmem:v3+s9+$0x0], $0xffff;
	_ =	sdelay $0x5  }
0x142: {  	s24 =	sadd.s32 $0x1, s17;
	s23 =	sadd.s32 $0x1100, s21;
	s22 =	sadd.s32 $0x900, s21;
	[tilespmem:s21+$0x1970] =	vst v2  }
0x143: {  	[tilespmem:s23], [sflag:s24] =	stream.indirect.gather [hbm4b:s1+s10], $0x1, s22, s10, $0xb8;
	[tilespmem:$0x2100] =	vst v63  }
0x144: {  	v2 =	vld [tilespmem:s21+$0x100];
	_ =	sdelay $0x2  }
0x145: {  	s22 =	sadd.s32 $0xFFFF8800, s18;
	v3 =	vld [tilespmem:s21+$0x110]  }
0x146: {  	v4 =	vadd.s32 s22, v0  }
0x147: {  	v4 =	vadd.s32 v2, v4  }
0x148: {  	s22 =	sadd.s32 $0xFFFF9000, s18;
	[tilespmem:s21+$0x980] =	vst v4  }
0x149: {  	v4 =	vadd.s32 s22, v0  }
0x14a: {  	v2 =	vld.idx.msk [tilespmem:v2+s9+$0x0], $0xffff;
	v4 =	vadd.s32 v3, v4  }
0x14b: {  	[tilespmem:s21+$0x990] =	vst v4  }
0x14c: {  	v4 =	vld [tilespmem:s21+$0x120];
	_ =	sdelay $0x2  }
0x14d: {  	s22 =	sadd.s32 $0xFFFF9800, s18  }
0x14e: {  	[tilespmem:s21+$0x1980] =	vst v2;
	v2 =	vadd.s32 s22, v0  }
0x14f: {  	v3 =	vld.idx.msk [tilespmem:v3+s9+$0x0], $0xffff;
	v2 =	vadd.s32 v4, v2  }
0x150: {  	[tilespmem:s21+$0x9A0] =	vst v2  }
0x151: {  	v2 =	vld [tilespmem:s21+$0x130];
	_ =	sdelay $0x2  }
0x152: {  	s22 =	sadd.s32 $0xFFFFA000, s18  }
0x153: {  	[tilespmem:s21+$0x1990] =	vst v3;
	v3 =	vadd.s32 s22, v0  }
0x154: {  	v4 =	vld.idx.msk [tilespmem:v4+s9+$0x0], $0xffff;
	v3 =	vadd.s32 v2, v3  }
0x155: {  	[tilespmem:s21+$0x9B0] =	vst v3  }
0x156: {  	v3 =	vld [tilespmem:s21+$0x140];
	_ =	sdelay $0x2  }
0x157: {  	s22 =	sadd.s32 $0xFFFFA800, s18  }
0x158: {  	[tilespmem:s21+$0x19A0] =	vst v4;
	v4 =	vadd.s32 s22, v0  }
0x159: {  	v2 =	vld.idx.msk [tilespmem:v2+s9+$0x0], $0xffff;
	v4 =	vadd.s32 v3, v4  }
0x15a: {  	[tilespmem:s21+$0x9C0] =	vst v4  }
0x15b: {  	v4 =	vld [tilespmem:s21+$0x150];
	_ =	sdelay $0x2  }
0x15c: {  	s22 =	sadd.s32 $0xFFFFB000, s18  }
0x15d: {  	[tilespmem:s21+$0x19B0] =	vst v2;
	v2 =	vadd.s32 s22, v0  }
0x15e: {  	v3 =	vld.idx.msk [tilespmem:v3+s9+$0x0], $0xffff;
	v2 =	vadd.s32 v4, v2  }
0x15f: {  	[tilespmem:s21+$0x9D0] =	vst v2  }
0x160: {  	v2 =	vld [tilespmem:s21+$0x160];
	_ =	sdelay $0x2  }
0x161: {  	s22 =	sadd.s32 $0xFFFFB800, s18  }
0x162: {  	[tilespmem:s21+$0x19C0] =	vst v3;
	v3 =	vadd.s32 s22, v0  }
0x163: {  	v4 =	vld.idx.msk [tilespmem:v4+s9+$0x0], $0xffff;
	v3 =	vadd.s32 v2, v3  }
0x164: {  	[tilespmem:s21+$0x9E0] =	vst v3  }
0x165: {  	v3 =	vld [tilespmem:s21+$0x170];
	_ =	sdelay $0x2  }
0x166: {  	s22 =	sadd.s32 $0xFFFFC000, s18  }
0x167: {  	[tilespmem:s21+$0x19D0] =	vst v4;
	v4 =	vadd.s32 s22, v0  }
0x168: {  	v2 =	vld.idx.msk [tilespmem:v2+s9+$0x0], $0xffff;
	v4 =	vadd.s32 v3, v4  }
0x169: {  	[tilespmem:s21+$0x9F0] =	vst v4;
	_ =	sdelay $0x4  }
0x16a: {  	[tilespmem:s21+$0x19E0] =	vst v2  }
0x16b: {  	v2 =	vld.idx.msk [tilespmem:v3+s9+$0x0], $0xffff;
	_ =	sdelay $0x5  }
0x16c: {  	s23 =	sadd.s32 $0x1180, s21;
	s24 =	sadd.s32 $0x2, s17;
	s22 =	sadd.s32 $0x980, s21;
	[tilespmem:s21+$0x19F0] =	vst v2  }
0x16d: {  	[tilespmem:s23], [sflag:s24] =	stream.indirect.gather [hbm4b:s1+s10], $0x1, s22, s10, $0xb8;
	[tilespmem:$0x2100] =	vst v63  }
0x16e: {  	v2 =	vld [tilespmem:s21+$0x180]  }
0x16f: {  	v3 =	vld [tilespmem:s21+$0x190]  }
0x170: {  	v4 =	vld [tilespmem:s21+$0x1A0]  }
0x171: {  	s22 =	sadd.s32 $0xFFFFC800, s18;
	v5 =	vld [tilespmem:s21+$0x1B0]  }
0x172: {  	v6 =	vadd.s32 s22, v0;
	v7 =	vld [tilespmem:s21+$0x1C0]  }
0x173: {  	v6 =	vadd.s32 v2, v6;
	v8 =	vld [tilespmem:s21+$0x1D0]  }
0x174: {  	s22 =	sadd.s32 $0xFFFFD000, s18;
	[tilespmem:s21+$0xA00] =	vst v6;
	v6 =	vld [tilespmem:s21+$0x1E0]  }
0x175: {  	v9 =	vadd.s32 s22, v0  }
0x176: {  	v9 =	vadd.s32 v3, v9;
	v2 =	vld.idx.msk [tilespmem:v2+s9+$0x0], $0xffff  }
0x177: {  	[tilespmem:s21+$0xA10] =	vst v9;
	_ =	sdelay $0x3  }
0x178: {  	s22 =	sadd.s32 $0xFFFFD800, s18  }
0x179: {  	[tilespmem:s21+$0x1A00] =	vst v2;
	v2 =	vadd.s32 s22, v0  }
0x17a: {  	v3 =	vld.idx.msk [tilespmem:v3+s9+$0x0], $0xffff;
	v2 =	vadd.s32 v4, v2  }
0x17b: {  	[tilespmem:s21+$0xA20] =	vst v2;
	_ =	sdelay $0x3  }
0x17c: {  	s22 =	sadd.s32 $0xFFFFE000, s18  }
0x17d: {  	v2 =	vadd.s32 s22, v0;
	[tilespmem:s21+$0x1A10] =	vst v3  }
0x17e: {  	v2 =	vadd.s32 v5, v2;
	v3 =	vld.idx.msk [tilespmem:v4+s9+$0x0], $0xffff  }
0x17f: {  	[tilespmem:s21+$0xA30] =	vst v2;
	_ =	sdelay $0x3  }
0x180: {  	s22 =	sadd.s32 $0xFFFFE800, s18  }
0x181: {  	v2 =	vadd.s32 s22, v0;
	[tilespmem:s21+$0x1A20] =	vst v3  }
0x182: {  	v2 =	vadd.s32 v7, v2;
	v3 =	vld.idx.msk [tilespmem:v5+s9+$0x0], $0xffff  }
0x183: {  	[tilespmem:s21+$0xA40] =	vst v2;
	_ =	sdelay $0x3  }
0x184: {  	s22 =	sadd.s32 $0xFFFFF000, s18  }
0x185: {  	v2 =	vadd.s32 s22, v0;
	[tilespmem:s21+$0x1A30] =	vst v3  }
0x186: {  	v2 =	vadd.s32 v8, v2;
	v3 =	vld.idx.msk [tilespmem:v7+s9+$0x0], $0xffff  }
0x187: {  	[tilespmem:s21+$0xA50] =	vst v2;
	_ =	sdelay $0x3  }
0x188: {  	s22 =	sadd.s32 $0xFFFFF800, s18  }
0x189: {  	v2 =	vadd.s32 s22, v0;
	[tilespmem:s21+$0x1A40] =	vst v3  }
0x18a: {  	v2 =	vadd.s32 v6, v2;
	v3 =	vld.idx.msk [tilespmem:v8+s9+$0x0], $0xffff  }
0x18b: {  	[tilespmem:s21+$0xA60] =	vst v2  }
0x18c: {  	v2 =	vld [tilespmem:s21+$0x1F0];
	_ =	sdelay $0x3  }
0x18d: {  	[tilespmem:s21+$0x1A50] =	vst v3;
	v3 =	vadd.s32 s18, v0  }
0x18e: {  	v4 =	vld.idx.msk [tilespmem:v6+s9+$0x0], $0xffff;
	v3 =	vadd.s32 v2, v3  }
0x18f: {  	[tilespmem:s21+$0xA70] =	vst v3;
	_ =	sdelay $0x4  }
0x190: {  	[tilespmem:s21+$0x1A60] =	vst v4  }
0x191: {  	v2 =	vld.idx.msk [tilespmem:v2+s9+$0x0], $0xffff;
	_ =	sdelay $0x1  }
.Ltmp0:
0x192: {  	(pc) =	sbr.rel @p0 .LBB2_2-.Ltmp0, $3  }
0x193: {  	_ =	sdelay $0x1  }
0x194: {  	s22 =	sadd.s32 $0x3, s17;
	s17 =	sadd.s32 $0x4, s17;
	s18 =	sadd.s32 $0x10000, s18  }
0x195: {  	s20 =	sadd.s32 $0x800, s20;
	s23 =	sadd.s32 $0xA00, s21;
	[tilespmem:s21+$0x1A70] =	vst v2;
	s21 =	sadd.s32 $0x1200, s21  }
0x196: {  	[tilespmem:s21], [sflag:s22] =	stream.indirect.gather [hbm4b:s1+s10], $0x1, s23, s10, $0xb8;
	[tilespmem:$0x2100] =	vst v63  }
0x197: {  	v2 =	vld [tilespmem:s16+$0x0];
	_ =	sdelay $0x2  }
0x198: {  	s19 =	sadd.s32 $0xFFFF0800, s18  }
0x199: {  	v3 =	vadd.s32 s19, v0  }
0x19a: {  	v3 =	vadd.s32 v2, v3  }
0x19b: {  	[tilespmem:s16+$0x880] =	vst v3;
	v3 =	vld [tilespmem:s16+$0x10];
	_ =	sdelay $0x1  }
0x19c: {  	v2 =	vld.idx.msk [tilespmem:v2+s9+$0x0], $0xffff  }
0x19d: {  	s23 =	sadd.s32 $0xFFFF1000, s18  }
0x19e: {  	v4 =	vadd.s32 s23, v0  }
0x19f: {  	v4 =	vadd.s32 v3, v4  }
0x1a0: {  	[tilespmem:s16+$0x890] =	vst v4  }
0x1a1: {  	[tilespmem:s16+$0x1880] =	vst v2;
	v2 =	vld [tilespmem:s16+$0x20]  }
0x1a2: {  	v3 =	vld.idx.msk [tilespmem:v3+s9+$0x0], $0xffff;
	_ =	sdelay $0x2  }
0x1a3: {  	s24 =	sadd.s32 $0xFFFF1800, s18  }
0x1a4: {  	v41 =	vadd.s32 s24, v0  }
0x1a5: {  	v4 =	vadd.s32 v2, v41;
	[tilespmem:s16+$0x1890] =	vst v3;
	v3 =	vld [tilespmem:s16+$0x30]  }
0x1a6: {  	[tilespmem:s16+$0x8A0] =	vst v4  }
0x1a7: {  	v2 =	vld.idx.msk [tilespmem:v2+s9+$0x0], $0xffff  }
0x1a8: {  	s25 =	sadd.s32 $0xFFFF2000, s18  }
0x1a9: {  	v42 =	vadd.s32 s25, v0  }
0x1aa: {  	v4 =	vadd.s32 v3, v42  }
0x1ab: {  	[tilespmem:s16+$0x8B0] =	vst v4  }
0x1ac: {  	[tilespmem:s16+$0x18A0] =	vst v2;
	v2 =	vld [tilespmem:s16+$0x40]  }
0x1ad: {  	v3 =	vld.idx.msk [tilespmem:v3+s9+$0x0], $0xffff;
	_ =	sdelay $0x2  }
0x1ae: {  	s26 =	sadd.s32 $0xFFFF2800, s18  }
0x1af: {  	v43 =	vadd.s32 s26, v0  }
0x1b0: {  	v4 =	vadd.s32 v2, v43;
	[tilespmem:s16+$0x18B0] =	vst v3;
	v3 =	vld [tilespmem:s16+$0x50]  }
0x1b1: {  	[tilespmem:s16+$0x8C0] =	vst v4  }
0x1b2: {  	v2 =	vld.idx.msk [tilespmem:v2+s9+$0x0], $0xffff  }
0x1b3: {  	s28 =	sadd.s32 $0xFFFF3000, s18  }
0x1b4: {  	v44 =	vadd.s32 s28, v0  }
0x1b5: {  	v4 =	vadd.s32 v3, v44  }
0x1b6: {  	[tilespmem:s16+$0x8D0] =	vst v4  }
0x1b7: {  	[tilespmem:s16+$0x18C0] =	vst v2;
	v2 =	vld [tilespmem:s16+$0x60]  }
0x1b8: {  	v3 =	vld.idx.msk [tilespmem:v3+s9+$0x0], $0xffff;
	_ =	sdelay $0x2  }
0x1b9: {  	s29 =	sadd.s32 $0xFFFF3800, s18  }
0x1ba: {  	v45 =	vadd.s32 s29, v0  }
0x1bb: {  	v4 =	vadd.s32 v2, v45;
	[tilespmem:s16+$0x18D0] =	vst v3;
	v3 =	vld [tilespmem:s16+$0x70]  }
0x1bc: {  	[tilespmem:s16+$0x8E0] =	vst v4  }
0x1bd: {  	v2 =	vld.idx.msk [tilespmem:v2+s9+$0x0], $0xffff  }
0x1be: {  	s30 =	sadd.s32 $0xFFFF4000, s18  }
0x1bf: {  	v46 =	vadd.s32 s30, v0  }
0x1c0: {  	v4 =	vadd.s32 v3, v46  }
0x1c1: {  	[tilespmem:s16+$0x8F0] =	vst v4  }
0x1c2: {  	[tilespmem:s16+$0x18E0] =	vst v2  }
0x1c3: {  	v2 =	vld.idx.msk [tilespmem:v3+s9+$0x0], $0xffff;
	_ =	sdelay $0x4  }
0x1c4: {  	s31 =	sadd.s32 $0x880, s16;
	s20 =	sadd.s32 $0x1080, s16;
	[tilespmem:s16+$0x18F0] =	vst v2  }
0x1c5: {  	[tilespmem:s20], [sflag:s17] =	stream.indirect.gather [hbm4b:s1+s10], $0x1, s31, s10, $0xb8;
	[tilespmem:$0x2100] =	vst v63  }
0x1c6: {  	v2 =	vld [tilespmem:s16+$0x80];
	_ =	sdelay $0x2  }
0x1c7: {  	s20 =	sadd.s32 $0xFFFF4800, s18  }
0x1c8: {  	v3 =	vadd.s32 s20, v0  }
0x1c9: {  	v3 =	vadd.s32 v2, v3  }
0x1ca: {  	[tilespmem:s16+$0x900] =	vst v3;
	v3 =	vld [tilespmem:s16+$0x90];
	_ =	sdelay $0x1  }
0x1cb: {  	v2 =	vld.idx.msk [tilespmem:v2+s9+$0x0], $0xffff  }
0x1cc: {  	s21 =	sadd.s32 $0xFFFF5000, s18  }
0x1cd: {  	v47 =	vadd.s32 s21, v0  }
0x1ce: {  	v4 =	vadd.s32 v3, v47  }
0x1cf: {  	[tilespmem:s16+$0x910] =	vst v4  }
0x1d0: {  	[tilespmem:s16+$0x1900] =	vst v2;
	v2 =	vld [tilespmem:s16+$0xA0]  }
0x1d1: {  	v3 =	vld.idx.msk [tilespmem:v3+s9+$0x0], $0xffff;
	_ =	sdelay $0x2  }
0x1d2: {  	s22 =	sadd.s32 $0xFFFF5800, s18  }
0x1d3: {  	v48 =	vadd.s32 s22, v0  }
0x1d4: {  	v4 =	vadd.s32 v2, v48;
	[tilespmem:s16+$0x1910] =	vst v3;
	v3 =	vld [tilespmem:s16+$0xB0]  }
0x1d5: {  	[tilespmem:s16+$0x920] =	vst v4  }
0x1d6: {  	v2 =	vld.idx.msk [tilespmem:v2+s9+$0x0], $0xffff  }
0x1d7: {  	s23 =	sadd.s32 $0xFFFF6000, s18  }
0x1d8: {  	v49 =	vadd.s32 s23, v0  }
0x1d9: {  	v4 =	vadd.s32 v3, v49  }
0x1da: {  	[tilespmem:s16+$0x930] =	vst v4  }
0x1db: {  	[tilespmem:s16+$0x1920] =	vst v2;
	v2 =	vld [tilespmem:s16+$0xC0]  }
0x1dc: {  	v3 =	vld.idx.msk [tilespmem:v3+s9+$0x0], $0xffff;
	_ =	sdelay $0x2  }
0x1dd: {  	s24 =	sadd.s32 $0xFFFF6800, s18  }
0x1de: {  	v50 =	vadd.s32 s24, v0  }
0x1df: {  	v4 =	vadd.s32 v2, v50;
	[tilespmem:s16+$0x1930] =	vst v3;
	v3 =	vld [tilespmem:s16+$0xD0]  }
0x1e0: {  	[tilespmem:s16+$0x940] =	vst v4  }
0x1e1: {  	v2 =	vld.idx.msk [tilespmem:v2+s9+$0x0], $0xffff  }
0x1e2: {  	s25 =	sadd.s32 $0xFFFF7000, s18  }
0x1e3: {  	v51 =	vadd.s32 s25, v0  }
0x1e4: {  	v4 =	vadd.s32 v3, v51  }
0x1e5: {  	[tilespmem:s16+$0x950] =	vst v4  }
0x1e6: {  	[tilespmem:s16+$0x1940] =	vst v2;
	v2 =	vld [tilespmem:s16+$0xE0]  }
0x1e7: {  	v3 =	vld.idx.msk [tilespmem:v3+s9+$0x0], $0xffff;
	_ =	sdelay $0x2  }
0x1e8: {  	s26 =	sadd.s32 $0xFFFF7800, s18  }
0x1e9: {  	v52 =	vadd.s32 s26, v0  }
0x1ea: {  	v4 =	vadd.s32 v2, v52;
	[tilespmem:s16+$0x1950] =	vst v3;
	v3 =	vld [tilespmem:s16+$0xF0]  }
0x1eb: {  	[tilespmem:s16+$0x960] =	vst v4  }
0x1ec: {  	v2 =	vld.idx.msk [tilespmem:v2+s9+$0x0], $0xffff  }
0x1ed: {  	s28 =	sadd.s32 $0xFFFF8000, s18  }
0x1ee: {  	v53 =	vadd.s32 s28, v0  }
0x1ef: {  	v4 =	vadd.s32 v3, v53  }
0x1f0: {  	[tilespmem:s16+$0x970] =	vst v4  }
0x1f1: {  	[tilespmem:s16+$0x1960] =	vst v2  }
0x1f2: {  	v2 =	vld.idx.msk [tilespmem:v3+s9+$0x0], $0xffff;
	_ =	sdelay $0x4  }
0x1f3: {  	s29 =	sadd.s32 $0x900, s16;
	s30 =	sadd.s32 $0x1100, s16;
	s31 =	sadd.s32 $0x1, s17;
	[tilespmem:s16+$0x1970] =	vst v2  }
0x1f4: {  	[tilespmem:s30], [sflag:s31] =	stream.indirect.gather [hbm4b:s1+s10], $0x1, s29, s10, $0xb8;
	[tilespmem:$0x2100] =	vst v63  }
0x1f5: {  	v2 =	vld [tilespmem:s16+$0x100];
	_ =	sdelay $0x3  }
0x1f6: {  	s20 =	sadd.s32 $0xFFFF8800, s18  }
0x1f7: {  	v54 =	vadd.s32 s20, v0  }
0x1f8: {  	v3 =	vld [tilespmem:s16+$0x110];
	v4 =	vadd.s32 v2, v54  }
0x1f9: {  	[tilespmem:s16+$0x980] =	vst v4  }
0x1fa: {  	v2 =	vld.idx.msk [tilespmem:v2+s9+$0x0], $0xffff  }
0x1fb: {  	s21 =	sadd.s32 $0xFFFF9000, s18  }
0x1fc: {  	v55 =	vadd.s32 s21, v0  }
0x1fd: {  	v4 =	vadd.s32 v3, v55  }
0x1fe: {  	v56 =	vld [tilespmem:s16+$0x120];
	[tilespmem:s16+$0x990] =	vst v4  }
0x1ff: {  	[tilespmem:s16+$0x1980] =	vst v2  }
0x200: {  	v3 =	vld.idx.msk [tilespmem:v3+s9+$0x0], $0xffff  }
0x201: {  	s22 =	sadd.s32 $0xFFFF9800, s18  }
0x202: {  	v2 =	vadd.s32 s22, v0  }
0x203: {  	v2 =	vadd.s32 v56, v2  }
0x204: {  	[tilespmem:s16+$0x9A0] =	vst v2;
	v2 =	vld [tilespmem:s16+$0x130]  }
0x205: {  	[tilespmem:s16+$0x1990] =	vst v3  }
0x206: {  	v4 =	vld.idx.msk [tilespmem:v56+s9+$0x0], $0xffff  }
0x207: {  	s23 =	sadd.s32 $0xFFFFA000, s18  }
0x208: {  	v3 =	vadd.s32 s23, v0  }
0x209: {  	v3 =	vadd.s32 v2, v3  }
0x20a: {  	[tilespmem:s16+$0x9B0] =	vst v3;
	v3 =	vld [tilespmem:s16+$0x140]  }
0x20b: {  	[tilespmem:s16+$0x19A0] =	vst v4  }
0x20c: {  	v2 =	vld.idx.msk [tilespmem:v2+s9+$0x0], $0xffff  }
0x20d: {  	s24 =	sadd.s32 $0xFFFFA800, s18  }
0x20e: {  	v57 =	vadd.s32 s24, v0  }
0x20f: {  	v4 =	vadd.s32 v3, v57  }
0x210: {  	v58 =	vld [tilespmem:s16+$0x150];
	[tilespmem:s16+$0x9C0] =	vst v4  }
0x211: {  	[tilespmem:s16+$0x19B0] =	vst v2  }
0x212: {  	v3 =	vld.idx.msk [tilespmem:v3+s9+$0x0], $0xffff  }
0x213: {  	s25 =	sadd.s32 $0xFFFFB000, s18  }
0x214: {  	v2 =	vadd.s32 s25, v0  }
0x215: {  	v2 =	vadd.s32 v58, v2  }
0x216: {  	[tilespmem:s16+$0x9D0] =	vst v2;
	v2 =	vld [tilespmem:s16+$0x160]  }
0x217: {  	[tilespmem:s16+$0x19C0] =	vst v3  }
0x218: {  	v3 =	vld.idx.msk [tilespmem:v58+s9+$0x0], $0xffff  }
0x219: {  	s26 =	sadd.s32 $0xFFFFB800, s18  }
0x21a: {  	v59 =	vadd.s32 s26, v0  }
0x21b: {  	v4 =	vadd.s32 v2, v59  }
0x21c: {  	v60 =	vld [tilespmem:s16+$0x170];
	[tilespmem:s16+$0x9E0] =	vst v4  }
0x21d: {  	[tilespmem:s16+$0x19D0] =	vst v3  }
0x21e: {  	v2 =	vld.idx.msk [tilespmem:v2+s9+$0x0], $0xffff  }
0x21f: {  	s28 =	sadd.s32 $0xFFFFC000, s18  }
0x220: {  	v3 =	vadd.s32 s28, v0  }
0x221: {  	v3 =	vadd.s32 v60, v3  }
0x222: {  	[tilespmem:s16+$0x9F0] =	vst v3  }
0x223: {  	[tilespmem:s16+$0x19E0] =	vst v2  }
0x224: {  	v2 =	vld.idx.msk [tilespmem:v60+s9+$0x0], $0xffff;
	_ =	sdelay $0x4  }
0x225: {  	s29 =	sadd.s32 $0x980, s16;
	s30 =	sadd.s32 $0x1180, s16;
	s31 =	sadd.s32 $0x2, s17;
	[tilespmem:s16+$0x19F0] =	vst v2  }
0x226: {  	[tilespmem:s30], [sflag:s31] =	stream.indirect.gather [hbm4b:s1+s10], $0x1, s29, s10, $0xb8;
	[tilespmem:$0x2100] =	vst v63  }
0x227: {  	v2 =	vld [tilespmem:s16+$0x180];
	_ =	sdelay $0x3  }
0x228: {  	s21 =	sadd.s32 $0xFFFFC800, s18  }
0x229: {  	v6 =	vadd.s32 s21, v0  }
0x22a: {  	v3 =	vld [tilespmem:s16+$0x190];
	v6 =	vadd.s32 v2, v6  }
0x22b: {  	[tilespmem:s16+$0xA00] =	vst v6  }
0x22c: {  	v2 =	vld.idx.msk [tilespmem:v2+s9+$0x0], $0xffff  }
0x22d: {  	s22 =	sadd.s32 $0xFFFFD000, s18  }
0x22e: {  	v62 =	vadd.s32 s22, v0  }
0x22f: {  	v6 =	vadd.s32 v3, v62  }
0x230: {  	v61 =	vld [tilespmem:s16+$0x1A0];
	[tilespmem:s16+$0xA10] =	vst v6  }
0x231: {  	[tilespmem:s16+$0x1A00] =	vst v2  }
0x232: {  	v2 =	vld.idx.msk [tilespmem:v3+s9+$0x0], $0xffff  }
0x233: {  	s23 =	sadd.s32 $0xFFFFD800, s18  }
0x234: {  	v3 =	vadd.s32 s23, v0  }
0x235: {  	v3 =	vadd.s32 v61, v3  }
0x236: {  	v5 =	vld [tilespmem:s16+$0x1B0];
	[tilespmem:s16+$0xA20] =	vst v3  }
0x237: {  	[tilespmem:s16+$0x1A10] =	vst v2  }
0x238: {  	v2 =	vld.idx.msk [tilespmem:v61+s9+$0x0], $0xffff  }
0x239: {  	s24 =	sadd.s32 $0xFFFFE000, s18  }
0x23a: {  	v3 =	vadd.s32 s24, v0  }
0x23b: {  	v3 =	vadd.s32 v5, v3  }
0x23c: {  	v7 =	vld [tilespmem:s16+$0x1C0];
	[tilespmem:s16+$0xA30] =	vst v3  }
0x23d: {  	[tilespmem:s16+$0x1A20] =	vst v2  }
0x23e: {  	v2 =	vld.idx.msk [tilespmem:v5+s9+$0x0], $0xffff  }
0x23f: {  	s25 =	sadd.s32 $0xFFFFE800, s18  }
0x240: {  	v3 =	vadd.s32 s25, v0  }
0x241: {  	v3 =	vadd.s32 v7, v3  }
0x242: {  	v8 =	vld [tilespmem:s16+$0x1D0];
	[tilespmem:s16+$0xA40] =	vst v3  }
0x243: {  	[tilespmem:s16+$0x1A30] =	vst v2  }
0x244: {  	v2 =	vld.idx.msk [tilespmem:v7+s9+$0x0], $0xffff  }
0x245: {  	s26 =	sadd.s32 $0xFFFFF000, s18  }
0x246: {  	v3 =	vadd.s32 s26, v0  }
0x247: {  	v3 =	vadd.s32 v8, v3  }
0x248: {  	v9 =	vld [tilespmem:s16+$0x1E0];
	[tilespmem:s16+$0xA50] =	vst v3  }
0x249: {  	[tilespmem:s16+$0x1A40] =	vst v2  }
0x24a: {  	v2 =	vld.idx.msk [tilespmem:v8+s9+$0x0], $0xffff  }
0x24b: {  	s28 =	sadd.s32 $0xFFFFF800, s18  }
0x24c: {  	v3 =	vadd.s32 s28, v0  }
0x24d: {  	v3 =	vadd.s32 v9, v3  }
0x24e: {  	[tilespmem:s16+$0xA60] =	vst v3;
	v3 =	vld [tilespmem:s16+$0x1F0]  }
0x24f: {  	[tilespmem:s16+$0x1A50] =	vst v2  }
0x250: {  	v2 =	vld.idx.msk [tilespmem:v9+s9+$0x0], $0xffff;
	_ =	sdelay $0x1  }
0x251: {  	v63 =	vadd.s32 s18, v0  }
0x252: {  	v4 =	vadd.s32 v3, v63  }
0x253: {  	[tilespmem:s16+$0xA70] =	vst v4  }
0x254: {  	[tilespmem:s16+$0x1A60] =	vst v2  }
0x255: {  	v2 =	vld.idx.msk [tilespmem:v3+s9+$0x0], $0xffff;
	_ =	sdelay $0x2  }
0x256: {  	p1 =	por $0x1, $0x1  }
.Ltmp1:
0x257: {  	_ = 	snop;
	(pc) =	sbr.rel @!p1 .LBB2_4-.Ltmp1, $4  }
0x258: {  	s29 =	sadd.s32 $0x3, s17;
	s30 =	sadd.s32 $0xA00, s16;
	s31 =	sadd.s32 $0x1200, s16;
	[tilespmem:s16+$0x1A70] =	vst v2  }
0x259: {  	[tilespmem:s31], [sflag:s29] =	stream.indirect.gather [hbm4b:s1+s10], $0x1, s30, s10, $0xb8;
	[tilespmem:$0x2100] =	vst v63  }
0x25a: {  	p0 =	por $0x0, $0x0;
	_ =	swait.ge [sflag:s14], $0x80  }
0x25b: {  	s17 =	simm.s32 $0x1100;
	s16 =	simm.s32 $0x1900;
	[sflag:s14] =	ssyncset.done $0x0  }
0x25c: {  	[sflag:s14] =	ssyncadd.s32 $0xFFFFFF80  }
0x25d: {  	v8 =	vld [tilespmem:s16+$0xFFFFFFF0]  }
0x25e: {  	v4 =	vld [tilespmem:s16+$0xFFFFFFE0]  }
0x25f: {  	v9 =	vld [tilespmem:s17+$0xFFFFFFF0]  }
0x260: {  	v3 =	vld [tilespmem:s17+$0xFFFFFFD0]  }
0x261: {  	v7 =	vld [tilespmem:s17+$0xFFFFFFE0]  }
0x262: {  	v6 =	vld [tilespmem:s16+$0xFFFFFFD0]  }
0x263: {  	v2 =	vld [tilespmem:s16+$0xFFFFFFB0]  }
0x264: {  	v5 =	vld [tilespmem:s16+$0xFFFFFFC0]  }
0x265: {  	v10 =	vld [tilespmem:s17+$0xFFFFFFB0]  }
0x266: {  	v11 =	vld [tilespmem:s17+$0xFFFFFFC0]  }
0x267: {  	v12 =	vld [tilespmem:s16+$0xFFFFFFA0]  }
0x268: {  	v13 =	vld [tilespmem:s17+$0xFFFFFFA0]  }
0x269: {  	v16 =	vld [tilespmem:s17+$0xFFFFFF80]  }
0x26a: {  	v17 =	vld [tilespmem:s16+$0xFFFFFF80]  }
0x26b: {  	v14 =	vld [tilespmem:s17+$0xFFFFFF90]  }
0x26c: {  	v15 =	vld [tilespmem:s16+$0xFFFFFF90];
	_ =	swait.ge [sflag:s15], $0x80  }
0x26d: {  	[sflag:s15] =	ssyncset.done $0x0  }
0x26e: {  	[sflag:s15] =	ssyncadd.s32 $0xFFFFFF80  }
0x26f: {  	v18 =	vld [tilespmem:s17+$0x0];
	v16 =	vmul.f32 v17, v16  }
0x270: {  	v19 =	vld [tilespmem:s16+$0x0]  }
0x271: {  	v61 =	vld [tilespmem:s17+$0x10];
	v14 =	vmul.f32 v15, v14;
	v15 =	vadd.f32 v16, v1  }
0x272: {  	v20 =	vld [tilespmem:s16+$0x10]  }
0x273: {  	v62 =	vld [tilespmem:s17+$0x20];
	v12 =	vmul.f32 v12, v13;
	v13 =	vadd.f32 v14, v15  }
0x274: {  	v21 =	vld [tilespmem:s16+$0x20]  }
0x275: {  	v22 =	vld [tilespmem:s16+$0x40];
	v2 =	vmul.f32 v2, v10;
	v10 =	vadd.f32 v12, v13  }
0x276: {  	v11 =	vmul.f32 v5, v11;
	v5 =	vld [tilespmem:s16+$0x50]  }
0x277: {  	v14 =	vld [tilespmem:s17+$0x30];
	v10 =	vadd.f32 v2, v10  }
0x278: {  	v15 =	vld [tilespmem:s16+$0x30]  }
0x279: {  	v13 =	vld [tilespmem:s17+$0x40];
	v12 =	vmul.f32 v6, v3;
	v10 =	vadd.f32 v11, v10  }
0x27a: {  	p1 =	por $0x1, $0x1;
	v3 =	vld [tilespmem:s17+$0x60]  }
.Ltmp2:
0x27b: {  	v6 =	vld [tilespmem:s16+$0x60];
	v11 =	vmul.f32 v4, v7;
	v10 =	vadd.f32 v12, v10;
	(pc) =	sbr.rel @!p1 .LBB2_6-.Ltmp2, $4  }
0x27c: {  	v2 =	vld [tilespmem:s17+$0x50]  }
0x27d: {  	v23 =	vmul.f32 v8, v9;
	v8 =	vmul.f32 v19, v18;
	v4 =	vld [tilespmem:s17+$0x70];
	v63 =	vadd.f32 v11, v10  }
0x27e: {  	s14 =	simm.s32 $0x2;
	p0 =	por $0x1, $0x1;
	v9 =	vmul.f32 v20, v61;
	v7 =	vld [tilespmem:s16+$0x70];
	_ =	swait.ge [sflag:s13], $0x80;
	v12 =	vmul.f32 v15, v14  }
0x27f: {  	s15 =	simm.s32 $0x1900;
	s17 =	simm.s32 $0x1200;
	[sflag:s13] =	ssyncset.done $0x0;
	v10 =	vmul.f32 v21, v62;
	v11 =	vmul.f32 v22, v13;
	v13 =	vadd.f32 v23, v63  }
.LBB2_7:
0x280: {  	s14 =	sadd.s32 $0x2, s14;
	[sflag:s13] =	ssyncadd.s32 $0xFFFFFF80;
	s15 =	sadd.s32 $0x100, s15  }
0x281: {  	p1 =	slt.u32 s14, $0xE;
	v14 =	vld [tilespmem:s15+$0xFFFFFFF0];
	v8 =	vadd.f32 v8, v13  }
0x282: {  	v13 =	vld [tilespmem:s15+$0xFFFFFFE0]  }
0x283: {  	v15 =	vld [tilespmem:s17+$0xFFFFFFF0];
	v8 =	vadd.f32 v9, v8  }
0x284: {  	v9 =	vld [tilespmem:s17+$0xFFFFFFD0]  }
0x285: {  	v16 =	vld [tilespmem:s17+$0xFFFFFFE0];
	v8 =	vadd.f32 v10, v8  }
0x286: {  	v10 =	vld [tilespmem:s15+$0xFFFFFFD0]  }
0x287: {  	v17 =	vld [tilespmem:s15+$0xFFFFFFB0];
	v8 =	vadd.f32 v12, v8  }
0x288: {  	v2 =	vmul.f32 v5, v2;
	v12 =	vld [tilespmem:s15+$0xFFFFFFC0];
	v14 =	vmul.f32 v14, v15  }
0x289: {  	v5 =	vld [tilespmem:s17+$0xFFFFFFB0];
	v8 =	vadd.f32 v11, v8  }
0x28a: {  	v3 =	vmul.f32 v6, v3;
	v11 =	vld [tilespmem:s17+$0xFFFFFFC0];
	v13 =	vmul.f32 v13, v16  }
0x28b: {  	v6 =	vld [tilespmem:s15+$0xFFFFFFA0];
	v15 =	vmul.f32 v10, v9;
	v2 =	vadd.f32 v2, v8  }
0x28c: {  	v4 =	vmul.f32 v7, v4;
	v8 =	vld [tilespmem:s17+$0xFFFFFFA0]  }
0x28d: {  	v7 =	vld [tilespmem:s17+$0xFFFFFF90];
	v2 =	vadd.f32 v3, v2  }
0x28e: {  	v3 =	vld [tilespmem:s15+$0xFFFFFF90];
	v5 =	vmul.f32 v17, v5  }
0x28f: {  	v9 =	vld [tilespmem:s17+$0xFFFFFF80];
	v11 =	vmul.f32 v12, v11;
	v2 =	vadd.f32 v4, v2  }
0x290: {  	s18 =	sadd.s32 $0x1, s13;
	v4 =	vld [tilespmem:s15+$0xFFFFFF80]  }
0x291: {  	v6 =	vmul.f32 v6, v8;
	_ =	swait.ge [sflag:s18], $0x80  }
0x292: {  	[sflag:s18] =	ssyncset.done $0x0  }
0x293: {  	v3 =	vmul.f32 v3, v7;
	[sflag:s18] =	ssyncadd.s32 $0xFFFFFF80  }
0x294: {  	v7 =	vld [tilespmem:s17+$0x0]  }
0x295: {  	v4 =	vmul.f32 v4, v9;
	v8 =	vld [tilespmem:s15+$0x0]  }
0x296: {  	v9 =	vld [tilespmem:s17+$0x10]  }
0x297: {  	v2 =	vadd.f32 v4, v2;
	v4 =	vld [tilespmem:s15+$0x10]  }
0x298: {  	v10 =	vld [tilespmem:s17+$0x20]  }
0x299: {  	v2 =	vadd.f32 v3, v2;
	v3 =	vld [tilespmem:s15+$0x20]  }
0x29a: {  	v8 =	vmul.f32 v8, v7;
	v7 =	vld [tilespmem:s17+$0x30]  }
0x29b: {  	v2 =	vadd.f32 v6, v2;
	v6 =	vld [tilespmem:s15+$0x30]  }
0x29c: {  	v9 =	vmul.f32 v4, v9;
	v4 =	vld [tilespmem:s17+$0x40]  }
0x29d: {  	v5 =	vadd.f32 v5, v2;
	v16 =	vld [tilespmem:s15+$0x40]  }
0x29e: {  	v10 =	vmul.f32 v3, v10;
	v2 =	vld [tilespmem:s17+$0x50]  }
0x29f: {  	v11 =	vadd.f32 v11, v5;
	v5 =	vld [tilespmem:s15+$0x50]  }
0x2a0: {  	v12 =	vmul.f32 v6, v7;
	v3 =	vld [tilespmem:s17+$0x60]  }
.Ltmp3:
0x2a1: {  	v7 =	vadd.f32 v15, v11;
	v6 =	vld [tilespmem:s15+$0x60];
	(pc) =	sbr.rel @p1 .LBB2_7-.Ltmp3, $4  }
0x2a2: {  	v11 =	vmul.f32 v16, v4;
	v4 =	vld [tilespmem:s17+$0x70]  }
0x2a3: {  	s13 =	sadd.s32 $0x2, s13;
	v13 =	vadd.f32 v13, v7;
	v7 =	vld [tilespmem:s15+$0x70]  }
0x2a4: {  	_ =	swait.ge [sflag:s13], $0x80  }
0x2a5: {  	s17 =	sadd.s32 $0x100, s17;
	[sflag:s13] =	ssyncset.done $0x0;
	v13 =	vadd.f32 v14, v13  }
0x2a6: {  	s14 =	smov.u32 s13  }
.LBB2_9:
0x2a7: {  	v8 =	vadd.f32 @p0 v8, v13;
	_ =	sdelay $0x1  }
0x2a8: {  	v8 =	vadd.f32 @p0 v9, v8;
	_ =	sdelay $0x1  }
0x2a9: {  	v8 =	vadd.f32 @p0 v10, v8;
	_ =	sdelay $0x1  }
0x2aa: {  	[sflag:s14] =	ssyncadd.s32 $0xFFFFFF80;
	v8 =	vadd.f32 @p0 v12, v8  }
0x2ab: {  	v39 =	vld [tilespmem:s17+$0xFFFFFFF0]  }
0x2ac: {  	s13 =	sadd.s32 @p0 $0x100, s15;
	v2 =	vmul.f32 @p0 v5, v2;
	v40 =	vld [tilespmem:s17+$0xFFFFFF80];
	v5 =	vadd.f32 @p0 v11, v8  }
0x2ad: {  	s16 =	smov.u32 @p0 s13;
	v42 =	vld [tilespmem:s17+$0xFFFFFF90]  }
0x2ae: {  	v3 =	vmul.f32 @p0 v6, v3;
	v41 =	vld [tilespmem:s16+$0xFFFFFF80];
	v2 =	vadd.f32 @p0 v2, v5  }
0x2af: {  	v44 =	vld [tilespmem:s17+$0xFFFFFFA0]  }
0x2b0: {  	v4 =	vmul.f32 @p0 v7, v4;
	v2 =	vadd.f32 @p0 v3, v2;
	v3 =	vld [tilespmem:s16+$0xFFFFFF90]  }
0x2b1: {  	v46 =	vld [tilespmem:s17+$0xFFFFFFB0]  }
0x2b2: {  	v43 =	vld [tilespmem:s16+$0xFFFFFFA0];
	v2 =	vadd.f32 @p0 v4, v2  }
0x2b3: {  	v47 =	vld [tilespmem:s17+$0xFFFFFFC0];
	v5 =	vmul.f32 v41, v40  }
0x2b4: {  	v45 =	vld [tilespmem:s16+$0xFFFFFFB0];
	v1 =	vpsel p0, v2, v1  }
0x2b5: {  	v48 =	vld [tilespmem:s17+$0xFFFFFFD0];
	v3 =	vmul.f32 v3, v42;
	v1 =	vadd.f32 v5, v1  }
0x2b6: {  	v2 =	vld [tilespmem:s16+$0xFFFFFFC0]  }
0x2b7: {  	v49 =	vld [tilespmem:s17+$0xFFFFFFE0];
	v7 =	vmul.f32 v43, v44;
	v1 =	vadd.f32 v3, v1  }
0x2b8: {  	v3 =	vld [tilespmem:s16+$0xFFFFFFD0]  }
0x2b9: {  	s31 =	sadd.s32 $0x1, s14;
	v37 =	vld [tilespmem:s16+$0xFFFFFFF0];
	v4 =	vmul.f32 v45, v46;
	v1 =	vadd.f32 v7, v1  }
0x2ba: {  	v38 =	vld [tilespmem:s16+$0xFFFFFFE0];
	_ =	swait.ge [sflag:s31], $0x80  }
0x2bb: {  	[sflag:s31] =	ssyncset.done $0x0;
	v2 =	vmul.f32 v2, v47;
	v1 =	vadd.f32 v4, v1  }
0x2bc: {  	[sflag:s31] =	ssyncadd.s32 $0xFFFFFF80  }
0x2bd: {  	v50 =	vld [tilespmem:s17+$0x0];
	v3 =	vmul.f32 v3, v48;
	v1 =	vadd.f32 v2, v1  }
0x2be: {  	v2 =	vld [tilespmem:s16+$0x0]  }
0x2bf: {  	v51 =	vmul.f32 v38, v49;
	v52 =	vld [tilespmem:s17+$0x10];
	v1 =	vadd.f32 v3, v1  }
0x2c0: {  	v3 =	vld [tilespmem:s16+$0x10]  }
0x2c1: {  	v53 =	vmul.f32 v37, v39;
	v54 =	vld [tilespmem:s17+$0x20];
	v1 =	vadd.f32 v51, v1  }
0x2c2: {  	v55 =	vld [tilespmem:s16+$0x20]  }
0x2c3: {  	v56 =	vld [tilespmem:s17+$0x30];
	v2 =	vmul.f32 v2, v50;
	v1 =	vadd.f32 v53, v1  }
0x2c4: {  	v57 =	vld [tilespmem:s16+$0x30]  }
0x2c5: {  	v58 =	vld [tilespmem:s17+$0x40];
	v3 =	vmul.f32 v3, v52;
	v1 =	vadd.f32 v2, v1  }
0x2c6: {  	v2 =	vld [tilespmem:s16+$0x40]  }
0x2c7: {  	v59 =	vld [tilespmem:s17+$0x50];
	v5 =	vmul.f32 v55, v54;
	v1 =	vadd.f32 v3, v1  }
0x2c8: {  	v3 =	vld [tilespmem:s16+$0x50]  }
0x2c9: {  	v60 =	vld [tilespmem:s17+$0x60];
	v4 =	vmul.f32 v57, v56;
	v1 =	vadd.f32 v5, v1  }
0x2ca: {  	v61 =	vld [tilespmem:s16+$0x60]  }
0x2cb: {  	v62 =	vld [tilespmem:s17+$0x70];
	v2 =	vmul.f32 v2, v58;
	v1 =	vadd.f32 v4, v1  }
0x2cc: {  	v63 =	vld [tilespmem:s16+$0x70]  }
0x2cd: {  	v3 =	vmul.f32 v3, v59;
	v1 =	vadd.f32 v2, v1;
	_ =	sdelay $0x1  }
0x2ce: {  	v2 =	vmul.f32 v61, v60;
	v1 =	vadd.f32 v3, v1;
	_ =	sdelay $0x1  }
0x2cf: {  	v3 =	vmul.f32 v63, v62;
	v1 =	vadd.f32 v2, v1;
	_ =	sdelay $0x1  }
0x2d0: {  	v1 =	vadd.f32 v3, v1;
	_ =	sdelay $0x1  }
0x2d1: {  	(xrf2) =	vadd.scan.msk.f32 $0xffff, v1;
	_ =	sdelay $0x9  }
0x2d2: {  	v1, _, _ =	vpop (xrf2)  }
0x2d3: {  	v1 =	vbroadcast v1, $0xF  }
0x2d4: {  	s12 =	sadd.s32 $0x1, s12  }
0x2d5: {  	p0 =	sne.s32 s12, s7;
	[tilespmem:$0x2080] =	vst v1  }
0x2d6: {  	[hbm4b:s6+s4] =	stream.linear.scatter [tilespmem:s11], [sflag:$0x11], $0x80, $0x38;
	[tilespmem:$0x2100] =	vst v63  }
.Ltmp4:
0x2d7: {  	_ = 	snop;
	(pc) =	sbr.rel @p0 .LBB2_1-.Ltmp4, $4  }
.Ltmp5:
0x2d8: {  	_ = 	snop;
	(pc) =	sbr.rel @!p0 .LBB2_10-.Ltmp5, $4  }
0x2d9: {  	_ =	swait.ge [sflag:s8], $0x80  }
0x2da: {  	[sflag:s8] =	ssyncset.done $0x0  }
0x2db: {  	[sflag:s8] =	ssyncadd.s32 $0xFFFFFF80  }
0x2dc: {  	_ = 	snop  }
.LBB2_4:
.Ltmp6:
0x2dd: {  	(pc) =	sbr.rel .LBB2_9-.Ltmp6, $2  }
0x2de: {  	_ =	sdelay $0x2  }
0x2df: {  	s15 =	simm.s32 $0x1900  }
.LBB2_6:
.Ltmp7:
0x2e0: {  	(pc) =	sbr.rel .LBB2_9-.Ltmp7, $2  }
0x2e1: {  	_ =	sdelay $0x2  }
0x2e2: {  	s14 =	simm.s32 $0x3;
	s15 =	simm.s32 $0x1900  }
.LBB2_10:
0x2e3: {  	_ =	sfence.sel $0x180000  }
0x2e4: {  	[bflag:$0x0] =	sbarrier.arrive $0xFFFF  }
0x2e5: {  	p0 =	sne.s32 s3, $0x0;
	_ =	strace $0x90000047  }
0x2e6: {  	s0 =	sadd.s32 @!p0 $0x100000, s0;
	[bflag:$0x2] =	sbarrier.arrive $0xFFFF  }
0x2e7: {  	[sflag:s0] =	ssyncadd.tile.s32 @!p0 $0x1;
	_ =	shalt  }
.Lfunc_end2:
_tile_overlayer_lowered:
.L_overlay_start_2:
0x2e8: {  	(tag) =	ssettag $0x2  }
0x2e9: {  	s0 =	rddreg [dreg:$0x0];
	s2 =	stileid.u32  }
0x2ea: {  	s1 =	rddreg [dreg:$0x1];
	p0 =	sne.s32 s2, $0x0  }
0x2eb: {  	s3 =	rddreg [dreg:$0x2];
	[bflag:$0x3] =	sbarrier.arrive $0xFFFF;
	s2 =	simm.s32 @!p0 $0x1C11  }
0x2ec: {  	[timem:s3], [sflag:s2] =	dma.local @!p0 [hbm:s0], s1  }
0x2ed: {  	s0 =	simm.s32 @!p0 $0x11  }
0x2ee: {  	_ =	swait.ge @!p0 [sflag:s0], s1  }
0x2ef: {  	s1 =	ssub.s32 @!p0 $0x0, s1;
	[sflag:s0] =	ssyncset.done @!p0 $0x0  }
0x2f0: {  	[sflag:s0] =	ssyncadd.s32 @!p0 s1  }
0x2f1: {  	[bflag:$0x3] =	sbarrier.arrive $0xFFFF  }
0x2f2: {  	_ =	shalt  }

</sc_bundles>
